<compile_context>
chip_gen: v7x
topology: tpu7x:2x2x1
jax: 0.10.2.dev20260603
libtpu: 0.0.44.dev20260713+nightly
codegen_flags: <defaults>
</compile_context>

<pallas_src>
import functools

import jax
import jax.numpy as jnp
from jax import lax
from jax.experimental import pallas as pl
from jax.experimental.pallas import tpu as pltpu
from jax.experimental.pallas import tpu_sc as plsc

MAX_CONTEXT_LENGTH = 8192
D_MODEL = 1024
BATCH = 4
SEQ_LEN = 8192

NTOT = BATCH * SEQ_LEN
NW = 32
B_PER_W = NTOT // NW
CHUNK = 16
NBUF = 6
LOOKAHEAD = 4
NCHUNK = B_PER_W // CHUNK

_mesh = plsc.VectorSubcoreMesh(core_axis_name="c", subcore_axis_name="s")


@functools.partial(
    pl.kernel,
    mesh=_mesh,
    out_type=jax.ShapeDtypeStruct((NTOT, D_MODEL), jnp.float32),
    scratch_types=[
        pltpu.VMEM((B_PER_W,), jnp.int32),
        pltpu.VMEM((NBUF, CHUNK, D_MODEL), jnp.float32),
    ]
    + [pltpu.SemaphoreType.DMA] * (2 * NBUF),
)
def _sc_gather(ids_hbm, table_hbm, out_hbm, idx_v, rows_v, *sems):
    gsem, osem = sems[:NBUF], sems[NBUF:]
    wid = lax.axis_index("s") * 2 + lax.axis_index("c")
    base = wid * B_PER_W
    pltpu.sync_copy(ids_hbm.at[pl.ds(base, B_PER_W)], idx_v)

    def gather(g, buf):
        return pltpu.make_async_copy(
            table_hbm.at[idx_v.at[pl.ds(g * CHUNK, CHUNK)]],
            rows_v.at[buf],
            gsem[buf],
        )

    def writeback(g, buf):
        return pltpu.make_async_copy(
            rows_v.at[buf],
            out_hbm.at[pl.ds(base + g * CHUNK, CHUNK)],
            osem[buf],
        )

    for g in range(LOOKAHEAD):
        gather(g, g).start()

    def step(g, j, wait_wb, start_g):
        gather(g, j).wait()
        if start_g:
            if wait_wb:
                writeback(g + LOOKAHEAD - NBUF, (j + LOOKAHEAD) % NBUF).wait()
            gather(g + LOOKAHEAD, (j + LOOKAHEAD) % NBUF).start()
        writeback(g, j).start()

    for j in range(NBUF):
        step(j, j, j >= NBUF - LOOKAHEAD, True)

    def round_body(r, c):
        g0 = NBUF * r
        for j in range(NBUF):
            step(g0 + j, j, True, True)
        return c

    nround = NCHUNK // NBUF
    lax.fori_loop(1, nround, round_body, 0)

    g0 = NBUF * nround
    for j in range(NCHUNK - g0):
        g = g0 + j
        step(g, j, True, g + LOOKAHEAD < NCHUNK)
    for g in range(NCHUNK - NBUF, NCHUNK):
        writeback(g, g % NBUF).wait()


def kernel(position_ids, table):
    ids_flat = position_ids.reshape(-1).astype(jnp.int32)
    out = _sc_gather(ids_flat, table)
    return out.reshape(BATCH, SEQ_LEN, D_MODEL)

# --- scband reference (transcript-rebuilt; emitter-appended) ---
"""Pipeline reference for scband-learned-positional-embedding-56040733278279 (READ-ONLY COPY).

The authoritative reference and input builder live on the scoring server;
editing this copy changes nothing except your own understanding.
"""

import jax, jax.numpy as jnp
import numpy as np

MAX_CONTEXT_LENGTH = 8192
D_MODEL = 1024
BATCH = 4
SEQ_LEN = 8192


def setup_inputs(seed: int = 0) -> dict:
    key = jax.random.key(seed)
    k_idx, k_tab = jax.random.split(key)
    position_ids = jax.random.randint(k_idx, (BATCH, SEQ_LEN), 0, MAX_CONTEXT_LENGTH, dtype=jnp.int64 if jax.config.jax_enable_x64 else jnp.int32)
    table = jax.random.normal(k_tab, (MAX_CONTEXT_LENGTH, D_MODEL), dtype=jnp.float32) * 0.02
    return {"position_ids": position_ids, "table": table}


def reference(position_ids, table):
    # clamp indices to valid range, then embedding lookup (gather)
    ids = jnp.clip(position_ids, 0, MAX_CONTEXT_LENGTH - 1)
    pos_embeddings = jnp.take(table, ids, axis=0)  # (B, T, C)
    # dropout == Identity since dropout=0.0
    return pos_embeddings

if __name__ == "__main__":
    import jax
    _d = setup_inputs()
    print(jax.jit(kernel)(*tuple(_d.values())))

</pallas_src>

<mosaic_0001>
#map = affine_map<(d0, d1) -> (0)>
#map1 = affine_map<(d0, d1) -> (0, 0)>
module attributes {stable_mosaic.version = 14 : i64} {
  func.func @_sc_gather(%arg0: i32, %arg1: i32, %arg2: memref<32768xi32, #tpu.memory_space<hbm>>, %arg3: memref<8192x1024xf32, #tpu.memory_space<hbm>>, %arg4: memref<32768x1024xf32, #tpu.memory_space<hbm>>, %arg5: memref<1024xi32, #tpu.memory_space<vmem>>, %arg6: memref<6x16x1024xf32, #tpu.memory_space<vmem>>, %arg7: memref<!tpu.dma_semaphore, #tpu.memory_space<semaphore_mem>>, %arg8: memref<!tpu.dma_semaphore, #tpu.memory_space<semaphore_mem>>, %arg9: memref<!tpu.dma_semaphore, #tpu.memory_space<semaphore_mem>>, %arg10: memref<!tpu.dma_semaphore, #tpu.memory_space<semaphore_mem>>, %arg11: memref<!tpu.dma_semaphore, #tpu.memory_space<semaphore_mem>>, %arg12: memref<!tpu.dma_semaphore, #tpu.memory_space<semaphore_mem>>, %arg13: memref<!tpu.dma_semaphore, #tpu.memory_space<semaphore_mem>>, %arg14: memref<!tpu.dma_semaphore, #tpu.memory_space<semaphore_mem>>, %arg15: memref<!tpu.dma_semaphore, #tpu.memory_space<semaphore_mem>>, %arg16: memref<!tpu.dma_semaphore, #tpu.memory_space<semaphore_mem>>, %arg17: memref<!tpu.dma_semaphore, #tpu.memory_space<semaphore_mem>>, %arg18: memref<!tpu.dma_semaphore, #tpu.memory_space<semaphore_mem>>) attributes {dimension_semantics = [#tpu.dimension_semantics<core_parallel>, #tpu.dimension_semantics<subcore_parallel>], iteration_bounds = array<i64: 2, 16>, scalar_prefetch = 0 : i64, scratch_operands = 14 : i64, tpu.core_type = #tpu.core_type<sc_vector_subcore>, window_params = [{transform_indices = #map}, {transform_indices = #map1}, {transform_indices = #map1}]} {
    %mul3A = arith.constant 2 : i32
    %mul3A_0 = arith.muli %arg1, %mul3A : i32
    %add3A = arith.addi %mul3A_0, %arg0 : i32
    %mul3A_1 = arith.constant 1024 : i32
    %mul3A_2 = arith.muli %add3A, %mul3A_1 : i32
    "tpu.region"() ({
      %run_scoped3A = tpu.sem_alloc : memref<!tpu.dma_semaphore, #tpu.memory_space<semaphore_mem>>
      %dma_start3A_506 = tpu.memref_slice %arg2[%mul3A_2] : memref<32768xi32, #tpu.memory_space<hbm>> -> memref<1024xi32, #tpu.memory_space<hbm>>
      %dma_start3A_507 = tpu.memref_slice %arg2[%mul3A_2] : memref<32768xi32, #tpu.memory_space<hbm>> -> memref<1024xi32, #tpu.memory_space<hbm>>
      tpu.enqueue_dma source(%dma_start3A_507 : memref<1024xi32, #tpu.memory_space<hbm>>) target(%arg5 : memref<1024xi32, #tpu.memory_space<vmem>>) target_semaphore(%run_scoped3A : memref<!tpu.dma_semaphore, #tpu.memory_space<semaphore_mem>>)
      %dma_wait3A_508 = tpu.memref_slice %arg2[%mul3A_2] : memref<32768xi32, #tpu.memory_space<hbm>> -> memref<1024xi32, #tpu.memory_space<hbm>>
      %dma_wait3A_509 = tpu.memref_slice %arg2[%mul3A_2] : memref<32768xi32, #tpu.memory_space<hbm>> -> memref<1024xi32, #tpu.memory_space<hbm>>
      tpu.wait_dma2 semaphore(%run_scoped3A : memref<!tpu.dma_semaphore, #tpu.memory_space<semaphore_mem>>) src(%dma_wait3A_509 : memref<1024xi32, #tpu.memory_space<hbm>>) dst(%arg5 : memref<1024xi32, #tpu.memory_space<vmem>>)
      tpu.yield
    }) : () -> ()
    %dma_start3A = arith.constant 0 : i32
    %dma_start3A_3 = arith.constant 0 : i32
    %dma_start3A_4 = arith.constant 0 : i32
    %dma_start3A_5 = tpu.memref_slice %arg6[%dma_start3A, %dma_start3A_3, %dma_start3A_4] : memref<6x16x1024xf32, #tpu.memory_space<vmem>> -> memref<1x16x1024xf32, #tpu.memory_space<vmem>>
    %dma_start3A_6 = tpu.memref_squeeze %dma_start3A_5 : memref<1x16x1024xf32, #tpu.memory_space<vmem>> -> memref<16x1024xf32, #tpu.memory_space<vmem>>
    %dma_start3A_7 = arith.constant 0 : i32
    %dma_start3A_8 = tpu.memref_slice %arg5[%dma_start3A_7] : memref<1024xi32, #tpu.memory_space<vmem>> -> memref<16xi32, #tpu.memory_space<vmem>>
    %dma_start3A_9 = arith.constant 0 : i32
    %dma_start3A_10 = arith.constant 0 : i32
    %dma_start3A_11 = tpu.memref_slice %arg3[%dma_start3A_9, %dma_start3A_10] : memref<8192x1024xf32, #tpu.memory_space<hbm>> -> memref<8192x1024xf32, #tpu.memory_space<hbm>>
    tpu.enqueue_indirect_dma source(%dma_start3A_11 : memref<8192x1024xf32, #tpu.memory_space<hbm>>) target(%dma_start3A_6 : memref<16x1024xf32, #tpu.memory_space<vmem>>) offsets(%dma_start3A_8 : memref<16xi32, #tpu.memory_space<vmem>>) semaphore(%arg7 : memref<!tpu.dma_semaphore, #tpu.memory_space<semaphore_mem>>)
    %dma_start3A_12 = arith.constant 1 : i32
    %dma_start3A_13 = arith.constant 0 : i32
    %dma_start3A_14 = arith.constant 0 : i32
    %dma_start3A_15 = tpu.memref_slice %arg6[%dma_start3A_12, %dma_start3A_13, %dma_start3A_14] : memref<6x16x1024xf32, #tpu.memory_space<vmem>> -> memref<1x16x1024xf32, #tpu.memory_space<vmem>>
    %dma_start3A_16 = tpu.memref_squeeze %dma_start3A_15 : memref<1x16x1024xf32, #tpu.memory_space<vmem>> -> memref<16x1024xf32, #tpu.memory_space<vmem>>
    %dma_start3A_17 = arith.constant 16 : i32
    %dma_start3A_18 = tpu.memref_slice %arg5[%dma_start3A_17] : memref<1024xi32, #tpu.memory_space<vmem>> -> memref<16xi32, #tpu.memory_space<vmem>>
    %dma_start3A_19 = arith.constant 0 : i32
    %dma_start3A_20 = arith.constant 0 : i32
    %dma_start3A_21 = tpu.memref_slice %arg3[%dma_start3A_19, %dma_start3A_20] : memref<8192x1024xf32, #tpu.memory_space<hbm>> -> memref<8192x1024xf32, #tpu.memory_space<hbm>>
    tpu.enqueue_indirect_dma source(%dma_start3A_21 : memref<8192x1024xf32, #tpu.memory_space<hbm>>) target(%dma_start3A_16 : memref<16x1024xf32, #tpu.memory_space<vmem>>) offsets(%dma_start3A_18 : memref<16xi32, #tpu.memory_space<vmem>>) semaphore(%arg8 : memref<!tpu.dma_semaphore, #tpu.memory_space<semaphore_mem>>)
    %dma_start3A_22 = arith.constant 2 : i32
    %dma_start3A_23 = arith.constant 0 : i32
    %dma_start3A_24 = arith.constant 0 : i32
    %dma_start3A_25 = tpu.memref_slice %arg6[%dma_start3A_22, %dma_start3A_23, %dma_start3A_24] : memref<6x16x1024xf32, #tpu.memory_space<vmem>> -> memref<1x16x1024xf32, #tpu.memory_space<vmem>>
    %dma_start3A_26 = tpu.memref_squeeze %dma_start3A_25 : memref<1x16x1024xf32, #tpu.memory_space<vmem>> -> memref<16x1024xf32, #tpu.memory_space<vmem>>
    %dma_start3A_27 = arith.constant 32 : i32
    %dma_start3A_28 = tpu.memref_slice %arg5[%dma_start3A_27] : memref<1024xi32, #tpu.memory_space<vmem>> -> memref<16xi32, #tpu.memory_space<vmem>>
    %dma_start3A_29 = arith.constant 0 : i32
    %dma_start3A_30 = arith.constant 0 : i32
    %dma_start3A_31 = tpu.memref_slice %arg3[%dma_start3A_29, %dma_start3A_30] : memref<8192x1024xf32, #tpu.memory_space<hbm>> -> memref<8192x1024xf32, #tpu.memory_space<hbm>>
    tpu.enqueue_indirect_dma source(%dma_start3A_31 : memref<8192x1024xf32, #tpu.memory_space<hbm>>) target(%dma_start3A_26 : memref<16x1024xf32, #tpu.memory_space<vmem>>) offsets(%dma_start3A_28 : memref<16xi32, #tpu.memory_space<vmem>>) semaphore(%arg9 : memref<!tpu.dma_semaphore, #tpu.memory_space<semaphore_mem>>)
    %dma_start3A_32 = arith.constant 3 : i32
    %dma_start3A_33 = arith.constant 0 : i32
    %dma_start3A_34 = arith.constant 0 : i32
    %dma_start3A_35 = tpu.memref_slice %arg6[%dma_start3A_32, %dma_start3A_33, %dma_start3A_34] : memref<6x16x1024xf32, #tpu.memory_space<vmem>> -> memref<1x16x1024xf32, #tpu.memory_space<vmem>>
    %dma_start3A_36 = tpu.memref_squeeze %dma_start3A_35 : memref<1x16x1024xf32, #tpu.memory_space<vmem>> -> memref<16x1024xf32, #tpu.memory_space<vmem>>
    %dma_start3A_37 = arith.constant 48 : i32
    %dma_start3A_38 = tpu.memref_slice %arg5[%dma_start3A_37] : memref<1024xi32, #tpu.memory_space<vmem>> -> memref<16xi32, #tpu.memory_space<vmem>>
    %dma_start3A_39 = arith.constant 0 : i32
    %dma_start3A_40 = arith.constant 0 : i32
    %dma_start3A_41 = tpu.memref_slice %arg3[%dma_start3A_39, %dma_start3A_40] : memref<8192x1024xf32, #tpu.memory_space<hbm>> -> memref<8192x1024xf32, #tpu.memory_space<hbm>>
    tpu.enqueue_indirect_dma source(%dma_start3A_41 : memref<8192x1024xf32, #tpu.memory_space<hbm>>) target(%dma_start3A_36 : memref<16x1024xf32, #tpu.memory_space<vmem>>) offsets(%dma_start3A_38 : memref<16xi32, #tpu.memory_space<vmem>>) semaphore(%arg10 : memref<!tpu.dma_semaphore, #tpu.memory_space<semaphore_mem>>)
    %dma_wait3A = arith.constant 0 : i32
    %dma_wait3A_42 = arith.constant 0 : i32
    %dma_wait3A_43 = arith.constant 0 : i32
    %dma_wait3A_44 = tpu.memref_slice %arg6[%dma_wait3A, %dma_wait3A_42, %dma_wait3A_43] : memref<6x16x1024xf32, #tpu.memory_space<vmem>> -> memref<1x16x1024xf32, #tpu.memory_space<vmem>>
    %dma_wait3A_45 = tpu.memref_squeeze %dma_wait3A_44 : memref<1x16x1024xf32, #tpu.memory_space<vmem>> -> memref<16x1024xf32, #tpu.memory_space<vmem>>
    %dma_wait3A_46 = arith.constant 0 : i32
    %dma_wait3A_47 = tpu.memref_slice %arg5[%dma_wait3A_46] : memref<1024xi32, #tpu.memory_space<vmem>> -> memref<16xi32, #tpu.memory_space<vmem>>
    %dma_wait3A_48 = arith.constant 0 : i32
    %dma_wait3A_49 = arith.constant 0 : i32
    %dma_wait3A_50 = tpu.memref_slice %arg3[%dma_wait3A_48, %dma_wait3A_49] : memref<8192x1024xf32, #tpu.memory_space<hbm>> -> memref<8192x1024xf32, #tpu.memory_space<hbm>>
    tpu.wait_indirect_dma semaphore(%arg7 : memref<!tpu.dma_semaphore, #tpu.memory_space<semaphore_mem>>) src(%dma_wait3A_50 : memref<8192x1024xf32, #tpu.memory_space<hbm>>) dst(%dma_wait3A_45 : memref<16x1024xf32, #tpu.memory_space<vmem>>)
    %dma_start3A_51 = arith.constant 4 : i32
    %dma_start3A_52 = arith.constant 0 : i32
    %dma_start3A_53 = arith.constant 0 : i32
    %dma_start3A_54 = tpu.memref_slice %arg6[%dma_start3A_51, %dma_start3A_52, %dma_start3A_53] : memref<6x16x1024xf32, #tpu.memory_space<vmem>> -> memref<1x16x1024xf32, #tpu.memory_space<vmem>>
    %dma_start3A_55 = tpu.memref_squeeze %dma_start3A_54 : memref<1x16x1024xf32, #tpu.memory_space<vmem>> -> memref<16x1024xf32, #tpu.memory_space<vmem>>
    %dma_start3A_56 = arith.constant 64 : i32
    %dma_start3A_57 = tpu.memref_slice %arg5[%dma_start3A_56] : memref<1024xi32, #tpu.memory_space<vmem>> -> memref<16xi32, #tpu.memory_space<vmem>>
    %dma_start3A_58 = arith.constant 0 : i32
    %dma_start3A_59 = arith.constant 0 : i32
    %dma_start3A_60 = tpu.memref_slice %arg3[%dma_start3A_58, %dma_start3A_59] : memref<8192x1024xf32, #tpu.memory_space<hbm>> -> memref<8192x1024xf32, #tpu.memory_space<hbm>>
    tpu.enqueue_indirect_dma source(%dma_start3A_60 : memref<8192x1024xf32, #tpu.memory_space<hbm>>) target(%dma_start3A_55 : memref<16x1024xf32, #tpu.memory_space<vmem>>) offsets(%dma_start3A_57 : memref<16xi32, #tpu.memory_space<vmem>>) semaphore(%arg11 : memref<!tpu.dma_semaphore, #tpu.memory_space<semaphore_mem>>)
    %add3A_61 = arith.constant 0 : i32
    %add3A_62 = arith.addi %mul3A_2, %add3A_61 : i32
    %dma_start3A_63 = arith.constant 0 : i32
    %dma_start3A_64 = arith.constant 0 : i32
    %dma_start3A_65 = arith.constant 0 : i32
    %dma_start3A_66 = tpu.memref_slice %arg6[%dma_start3A_63, %dma_start3A_64, %dma_start3A_65] : memref<6x16x1024xf32, #tpu.memory_space<vmem>> -> memref<1x16x1024xf32, #tpu.memory_space<vmem>>
    %dma_start3A_67 = tpu.memref_squeeze %dma_start3A_66 : memref<1x16x1024xf32, #tpu.memory_space<vmem>> -> memref<16x1024xf32, #tpu.memory_space<vmem>>
    %dma_start3A_68 = arith.constant 0 : i32
    %dma_start3A_69 = tpu.memref_slice %arg4[%add3A_62, %dma_start3A_68] : memref<32768x1024xf32, #tpu.memory_space<hbm>> -> memref<16x1024xf32, #tpu.memory_space<hbm>>
    %dma_start3A_70 = arith.constant 0 : i32
    %dma_start3A_71 = tpu.memref_slice %arg4[%add3A_62, %dma_start3A_70] : memref<32768x1024xf32, #tpu.memory_space<hbm>> -> memref<16x1024xf32, #tpu.memory_space<hbm>>
    %dma_start3A_72 = arith.constant 0 : i32
    %dma_start3A_73 = arith.constant 0 : i32
    %dma_start3A_74 = tpu.memref_slice %arg6[%dma_start3A_63, %dma_start3A_72, %dma_start3A_73] : memref<6x16x1024xf32, #tpu.memory_space<vmem>> -> memref<1x16x1024xf32, #tpu.memory_space<vmem>>
    %dma_start3A_75 = tpu.memref_squeeze %dma_start3A_74 : memref<1x16x1024xf32, #tpu.memory_space<vmem>> -> memref<16x1024xf32, #tpu.memory_space<vmem>>
    tpu.enqueue_dma source(%dma_start3A_75 : memref<16x1024xf32, #tpu.memory_space<vmem>>) target(%dma_start3A_71 : memref<16x1024xf32, #tpu.memory_space<hbm>>) target_semaphore(%arg13 : memref<!tpu.dma_semaphore, #tpu.memory_space<semaphore_mem>>)
    %dma_wait3A_76 = arith.constant 1 : i32
    %dma_wait3A_77 = arith.constant 0 : i32
    %dma_wait3A_78 = arith.constant 0 : i32
    %dma_wait3A_79 = tpu.memref_slice %arg6[%dma_wait3A_76, %dma_wait3A_77, %dma_wait3A_78] : memref<6x16x1024xf32, #tpu.memory_space<vmem>> -> memref<1x16x1024xf32, #tpu.memory_space<vmem>>
    %dma_wait3A_80 = tpu.memref_squeeze %dma_wait3A_79 : memref<1x16x1024xf32, #tpu.memory_space<vmem>> -> memref<16x1024xf32, #tpu.memory_space<vmem>>
    %dma_wait3A_81 = arith.constant 16 : i32
    %dma_wait3A_82 = tpu.memref_slice %arg5[%dma_wait3A_81] : memref<1024xi32, #tpu.memory_space<vmem>> -> memref<16xi32, #tpu.memory_space<vmem>>
    %dma_wait3A_83 = arith.constant 0 : i32
    %dma_wait3A_84 = arith.constant 0 : i32
    %dma_wait3A_85 = tpu.memref_slice %arg3[%dma_wait3A_83, %dma_wait3A_84] : memref<8192x1024xf32, #tpu.memory_space<hbm>> -> memref<8192x1024xf32, #tpu.memory_space<hbm>>
    tpu.wait_indirect_dma semaphore(%arg8 : memref<!tpu.dma_semaphore, #tpu.memory_space<semaphore_mem>>) src(%dma_wait3A_85 : memref<8192x1024xf32, #tpu.memory_space<hbm>>) dst(%dma_wait3A_80 : memref<16x1024xf32, #tpu.memory_space<vmem>>)
    %dma_start3A_86 = arith.constant 5 : i32
    %dma_start3A_87 = arith.constant 0 : i32
    %dma_start3A_88 = arith.constant 0 : i32
    %dma_start3A_89 = tpu.memref_slice %arg6[%dma_start3A_86, %dma_start3A_87, %dma_start3A_88] : memref<6x16x1024xf32, #tpu.memory_space<vmem>> -> memref<1x16x1024xf32, #tpu.memory_space<vmem>>
    %dma_start3A_90 = tpu.memref_squeeze %dma_start3A_89 : memref<1x16x1024xf32, #tpu.memory_space<vmem>> -> memref<16x1024xf32, #tpu.memory_space<vmem>>
    %dma_start3A_91 = arith.constant 80 : i32
    %dma_start3A_92 = tpu.memref_slice %arg5[%dma_start3A_91] : memref<1024xi32, #tpu.memory_space<vmem>> -> memref<16xi32, #tpu.memory_space<vmem>>
    %dma_start3A_93 = arith.constant 0 : i32
    %dma_start3A_94 = arith.constant 0 : i32
    %dma_start3A_95 = tpu.memref_slice %arg3[%dma_start3A_93, %dma_start3A_94] : memref<8192x1024xf32, #tpu.memory_space<hbm>> -> memref<8192x1024xf32, #tpu.memory_space<hbm>>
    tpu.enqueue_indirect_dma source(%dma_start3A_95 : memref<8192x1024xf32, #tpu.memory_space<hbm>>) target(%dma_start3A_90 : memref<16x1024xf32, #tpu.memory_space<vmem>>) offsets(%dma_start3A_92 : memref<16xi32, #tpu.memory_space<vmem>>) semaphore(%arg12 : memref<!tpu.dma_semaphore, #tpu.memory_space<semaphore_mem>>)
    %add3A_96 = arith.constant 16 : i32
    %add3A_97 = arith.addi %mul3A_2, %add3A_96 : i32
    %dma_start3A_98 = arith.constant 1 : i32
    %dma_start3A_99 = arith.constant 0 : i32
    %dma_start3A_100 = arith.constant 0 : i32
    %dma_start3A_101 = tpu.memref_slice %arg6[%dma_start3A_98, %dma_start3A_99, %dma_start3A_100] : memref<6x16x1024xf32, #tpu.memory_space<vmem>> -> memref<1x16x1024xf32, #tpu.memory_space<vmem>>
    %dma_start3A_102 = tpu.memref_squeeze %dma_start3A_101 : memref<1x16x1024xf32, #tpu.memory_space<vmem>> -> memref<16x1024xf32, #tpu.memory_space<vmem>>
    %dma_start3A_103 = arith.constant 0 : i32
    %dma_start3A_104 = tpu.memref_slice %arg4[%add3A_97, %dma_start3A_103] : memref<32768x1024xf32, #tpu.memory_space<hbm>> -> memref<16x1024xf32, #tpu.memory_space<hbm>>
    %dma_start3A_105 = arith.constant 0 : i32
    %dma_start3A_106 = tpu.memref_slice %arg4[%add3A_97, %dma_start3A_105] : memref<32768x1024xf32, #tpu.memory_space<hbm>> -> memref<16x1024xf32, #tpu.memory_space<hbm>>
    %dma_start3A_107 = arith.constant 0 : i32
    %dma_start3A_108 = arith.constant 0 : i32
    %dma_start3A_109 = tpu.memref_slice %arg6[%dma_start3A_98, %dma_start3A_107, %dma_start3A_108] : memref<6x16x1024xf32, #tpu.memory_space<vmem>> -> memref<1x16x1024xf32, #tpu.memory_space<vmem>>
    %dma_start3A_110 = tpu.memref_squeeze %dma_start3A_109 : memref<1x16x1024xf32, #tpu.memory_space<vmem>> -> memref<16x1024xf32, #tpu.memory_space<vmem>>
    tpu.enqueue_dma source(%dma_start3A_110 : memref<16x1024xf32, #tpu.memory_space<vmem>>) target(%dma_start3A_106 : memref<16x1024xf32, #tpu.memory_space<hbm>>) target_semaphore(%arg14 : memref<!tpu.dma_semaphore, #tpu.memory_space<semaphore_mem>>)
    %dma_wait3A_111 = arith.constant 2 : i32
    %dma_wait3A_112 = arith.constant 0 : i32
    %dma_wait3A_113 = arith.constant 0 : i32
    %dma_wait3A_114 = tpu.memref_slice %arg6[%dma_wait3A_111, %dma_wait3A_112, %dma_wait3A_113] : memref<6x16x1024xf32, #tpu.memory_space<vmem>> -> memref<1x16x1024xf32, #tpu.memory_space<vmem>>
    %dma_wait3A_115 = tpu.memref_squeeze %dma_wait3A_114 : memref<1x16x1024xf32, #tpu.memory_space<vmem>> -> memref<16x1024xf32, #tpu.memory_space<vmem>>
    %dma_wait3A_116 = arith.constant 32 : i32
    %dma_wait3A_117 = tpu.memref_slice %arg5[%dma_wait3A_116] : memref<1024xi32, #tpu.memory_space<vmem>> -> memref<16xi32, #tpu.memory_space<vmem>>
    %dma_wait3A_118 = arith.constant 0 : i32
    %dma_wait3A_119 = arith.constant 0 : i32
    %dma_wait3A_120 = tpu.memref_slice %arg3[%dma_wait3A_118, %dma_wait3A_119] : memref<8192x1024xf32, #tpu.memory_space<hbm>> -> memref<8192x1024xf32, #tpu.memory_space<hbm>>
    tpu.wait_indirect_dma semaphore(%arg9 : memref<!tpu.dma_semaphore, #tpu.memory_space<semaphore_mem>>) src(%dma_wait3A_120 : memref<8192x1024xf32, #tpu.memory_space<hbm>>) dst(%dma_wait3A_115 : memref<16x1024xf32, #tpu.memory_space<vmem>>)
    %add3A_121 = arith.constant 0 : i32
    %add3A_122 = arith.addi %mul3A_2, %add3A_121 : i32
    %dma_wait3A_123 = arith.constant 0 : i32
    %dma_wait3A_124 = arith.constant 0 : i32
    %dma_wait3A_125 = arith.constant 0 : i32
    %dma_wait3A_126 = tpu.memref_slice %arg6[%dma_wait3A_123, %dma_wait3A_124, %dma_wait3A_125] : memref<6x16x1024xf32, #tpu.memory_space<vmem>> -> memref<1x16x1024xf32, #tpu.memory_space<vmem>>
    %dma_wait3A_127 = tpu.memref_squeeze %dma_wait3A_126 : memref<1x16x1024xf32, #tpu.memory_space<vmem>> -> memref<16x1024xf32, #tpu.memory_space<vmem>>
    %dma_wait3A_128 = arith.constant 0 : i32
    %dma_wait3A_129 = tpu.memref_slice %arg4[%add3A_122, %dma_wait3A_128] : memref<32768x1024xf32, #tpu.memory_space<hbm>> -> memref<16x1024xf32, #tpu.memory_space<hbm>>
    %dma_wait3A_130 = arith.constant 0 : i32
    %dma_wait3A_131 = tpu.memref_slice %arg4[%add3A_122, %dma_wait3A_130] : memref<32768x1024xf32, #tpu.memory_space<hbm>> -> memref<16x1024xf32, #tpu.memory_space<hbm>>
    %dma_wait3A_132 = arith.constant 0 : i32
    %dma_wait3A_133 = arith.constant 0 : i32
    %dma_wait3A_134 = tpu.memref_slice %arg6[%dma_wait3A_123, %dma_wait3A_132, %dma_wait3A_133] : memref<6x16x1024xf32, #tpu.memory_space<vmem>> -> memref<1x16x1024xf32, #tpu.memory_space<vmem>>
    %dma_wait3A_135 = tpu.memref_squeeze %dma_wait3A_134 : memref<1x16x1024xf32, #tpu.memory_space<vmem>> -> memref<16x1024xf32, #tpu.memory_space<vmem>>
    tpu.wait_dma2 semaphore(%arg13 : memref<!tpu.dma_semaphore, #tpu.memory_space<semaphore_mem>>) src(%dma_wait3A_135 : memref<16x1024xf32, #tpu.memory_space<vmem>>) dst(%dma_wait3A_131 : memref<16x1024xf32, #tpu.memory_space<hbm>>)
    %dma_start3A_136 = arith.constant 0 : i32
    %dma_start3A_137 = arith.constant 0 : i32
    %dma_start3A_138 = arith.constant 0 : i32
    %dma_start3A_139 = tpu.memref_slice %arg6[%dma_start3A_136, %dma_start3A_137, %dma_start3A_138] : memref<6x16x1024xf32, #tpu.memory_space<vmem>> -> memref<1x16x1024xf32, #tpu.memory_space<vmem>>
    %dma_start3A_140 = tpu.memref_squeeze %dma_start3A_139 : memref<1x16x1024xf32, #tpu.memory_space<vmem>> -> memref<16x1024xf32, #tpu.memory_space<vmem>>
    %dma_start3A_141 = arith.constant 96 : i32
    %dma_start3A_142 = tpu.memref_slice %arg5[%dma_start3A_141] : memref<1024xi32, #tpu.memory_space<vmem>> -> memref<16xi32, #tpu.memory_space<vmem>>
    %dma_start3A_143 = arith.constant 0 : i32
    %dma_start3A_144 = arith.constant 0 : i32
    %dma_start3A_145 = tpu.memref_slice %arg3[%dma_start3A_143, %dma_start3A_144] : memref<8192x1024xf32, #tpu.memory_space<hbm>> -> memref<8192x1024xf32, #tpu.memory_space<hbm>>
    tpu.enqueue_indirect_dma source(%dma_start3A_145 : memref<8192x1024xf32, #tpu.memory_space<hbm>>) target(%dma_start3A_140 : memref<16x1024xf32, #tpu.memory_space<vmem>>) offsets(%dma_start3A_142 : memref<16xi32, #tpu.memory_space<vmem>>) semaphore(%arg7 : memref<!tpu.dma_semaphore, #tpu.memory_space<semaphore_mem>>)
    %add3A_146 = arith.constant 32 : i32
    %add3A_147 = arith.addi %mul3A_2, %add3A_146 : i32
    %dma_start3A_148 = arith.constant 2 : i32
    %dma_start3A_149 = arith.constant 0 : i32
    %dma_start3A_150 = arith.constant 0 : i32
    %dma_start3A_151 = tpu.memref_slice %arg6[%dma_start3A_148, %dma_start3A_149, %dma_start3A_150] : memref<6x16x1024xf32, #tpu.memory_space<vmem>> -> memref<1x16x1024xf32, #tpu.memory_space<vmem>>
    %dma_start3A_152 = tpu.memref_squeeze %dma_start3A_151 : memref<1x16x1024xf32, #tpu.memory_space<vmem>> -> memref<16x1024xf32, #tpu.memory_space<vmem>>
    %dma_start3A_153 = arith.constant 0 : i32
    %dma_start3A_154 = tpu.memref_slice %arg4[%add3A_147, %dma_start3A_153] : memref<32768x1024xf32, #tpu.memory_space<hbm>> -> memref<16x1024xf32, #tpu.memory_space<hbm>>
    %dma_start3A_155 = arith.constant 0 : i32
    %dma_start3A_156 = tpu.memref_slice %arg4[%add3A_147, %dma_start3A_155] : memref<32768x1024xf32, #tpu.memory_space<hbm>> -> memref<16x1024xf32, #tpu.memory_space<hbm>>
    %dma_start3A_157 = arith.constant 0 : i32
    %dma_start3A_158 = arith.constant 0 : i32
    %dma_start3A_159 = tpu.memref_slice %arg6[%dma_start3A_148, %dma_start3A_157, %dma_start3A_158] : memref<6x16x1024xf32, #tpu.memory_space<vmem>> -> memref<1x16x1024xf32, #tpu.memory_space<vmem>>
    %dma_start3A_160 = tpu.memref_squeeze %dma_start3A_159 : memref<1x16x1024xf32, #tpu.memory_space<vmem>> -> memref<16x1024xf32, #tpu.memory_space<vmem>>
    tpu.enqueue_dma source(%dma_start3A_160 : memref<16x1024xf32, #tpu.memory_space<vmem>>) target(%dma_start3A_156 : memref<16x1024xf32, #tpu.memory_space<hbm>>) target_semaphore(%arg15 : memref<!tpu.dma_semaphore, #tpu.memory_space<semaphore_mem>>)
    %dma_wait3A_161 = arith.constant 3 : i32
    %dma_wait3A_162 = arith.constant 0 : i32
    %dma_wait3A_163 = arith.constant 0 : i32
    %dma_wait3A_164 = tpu.memref_slice %arg6[%dma_wait3A_161, %dma_wait3A_162, %dma_wait3A_163] : memref<6x16x1024xf32, #tpu.memory_space<vmem>> -> memref<1x16x1024xf32, #tpu.memory_space<vmem>>
    %dma_wait3A_165 = tpu.memref_squeeze %dma_wait3A_164 : memref<1x16x1024xf32, #tpu.memory_space<vmem>> -> memref<16x1024xf32, #tpu.memory_space<vmem>>
    %dma_wait3A_166 = arith.constant 48 : i32
    %dma_wait3A_167 = tpu.memref_slice %arg5[%dma_wait3A_166] : memref<1024xi32, #tpu.memory_space<vmem>> -> memref<16xi32, #tpu.memory_space<vmem>>
    %dma_wait3A_168 = arith.constant 0 : i32
    %dma_wait3A_169 = arith.constant 0 : i32
    %dma_wait3A_170 = tpu.memref_slice %arg3[%dma_wait3A_168, %dma_wait3A_169] : memref<8192x1024xf32, #tpu.memory_space<hbm>> -> memref<8192x1024xf32, #tpu.memory_space<hbm>>
    tpu.wait_indirect_dma semaphore(%arg10 : memref<!tpu.dma_semaphore, #tpu.memory_space<semaphore_mem>>) src(%dma_wait3A_170 : memref<8192x1024xf32, #tpu.memory_space<hbm>>) dst(%dma_wait3A_165 : memref<16x1024xf32, #tpu.memory_space<vmem>>)
    %add3A_171 = arith.constant 16 : i32
    %add3A_172 = arith.addi %mul3A_2, %add3A_171 : i32
    %dma_wait3A_173 = arith.constant 1 : i32
    %dma_wait3A_174 = arith.constant 0 : i32
    %dma_wait3A_175 = arith.constant 0 : i32
    %dma_wait3A_176 = tpu.memref_slice %arg6[%dma_wait3A_173, %dma_wait3A_174, %dma_wait3A_175] : memref<6x16x1024xf32, #tpu.memory_space<vmem>> -> memref<1x16x1024xf32, #tpu.memory_space<vmem>>
    %dma_wait3A_177 = tpu.memref_squeeze %dma_wait3A_176 : memref<1x16x1024xf32, #tpu.memory_space<vmem>> -> memref<16x1024xf32, #tpu.memory_space<vmem>>
    %dma_wait3A_178 = arith.constant 0 : i32
    %dma_wait3A_179 = tpu.memref_slice %arg4[%add3A_172, %dma_wait3A_178] : memref<32768x1024xf32, #tpu.memory_space<hbm>> -> memref<16x1024xf32, #tpu.memory_space<hbm>>
    %dma_wait3A_180 = arith.constant 0 : i32
    %dma_wait3A_181 = tpu.memref_slice %arg4[%add3A_172, %dma_wait3A_180] : memref<32768x1024xf32, #tpu.memory_space<hbm>> -> memref<16x1024xf32, #tpu.memory_space<hbm>>
    %dma_wait3A_182 = arith.constant 0 : i32
    %dma_wait3A_183 = arith.constant 0 : i32
    %dma_wait3A_184 = tpu.memref_slice %arg6[%dma_wait3A_173, %dma_wait3A_182, %dma_wait3A_183] : memref<6x16x1024xf32, #tpu.memory_space<vmem>> -> memref<1x16x1024xf32, #tpu.memory_space<vmem>>
    %dma_wait3A_185 = tpu.memref_squeeze %dma_wait3A_184 : memref<1x16x1024xf32, #tpu.memory_space<vmem>> -> memref<16x1024xf32, #tpu.memory_space<vmem>>
    tpu.wait_dma2 semaphore(%arg14 : memref<!tpu.dma_semaphore, #tpu.memory_space<semaphore_mem>>) src(%dma_wait3A_185 : memref<16x1024xf32, #tpu.memory_space<vmem>>) dst(%dma_wait3A_181 : memref<16x1024xf32, #tpu.memory_space<hbm>>)
    %dma_start3A_186 = arith.constant 1 : i32
    %dma_start3A_187 = arith.constant 0 : i32
    %dma_start3A_188 = arith.constant 0 : i32
    %dma_start3A_189 = tpu.memref_slice %arg6[%dma_start3A_186, %dma_start3A_187, %dma_start3A_188] : memref<6x16x1024xf32, #tpu.memory_space<vmem>> -> memref<1x16x1024xf32, #tpu.memory_space<vmem>>
    %dma_start3A_190 = tpu.memref_squeeze %dma_start3A_189 : memref<1x16x1024xf32, #tpu.memory_space<vmem>> -> memref<16x1024xf32, #tpu.memory_space<vmem>>
    %dma_start3A_191 = arith.constant 112 : i32
    %dma_start3A_192 = tpu.memref_slice %arg5[%dma_start3A_191] : memref<1024xi32, #tpu.memory_space<vmem>> -> memref<16xi32, #tpu.memory_space<vmem>>
    %dma_start3A_193 = arith.constant 0 : i32
    %dma_start3A_194 = arith.constant 0 : i32
    %dma_start3A_195 = tpu.memref_slice %arg3[%dma_start3A_193, %dma_start3A_194] : memref<8192x1024xf32, #tpu.memory_space<hbm>> -> memref<8192x1024xf32, #tpu.memory_space<hbm>>
    tpu.enqueue_indirect_dma source(%dma_start3A_195 : memref<8192x1024xf32, #tpu.memory_space<hbm>>) target(%dma_start3A_190 : memref<16x1024xf32, #tpu.memory_space<vmem>>) offsets(%dma_start3A_192 : memref<16xi32, #tpu.memory_space<vmem>>) semaphore(%arg8 : memref<!tpu.dma_semaphore, #tpu.memory_space<semaphore_mem>>)
    %add3A_196 = arith.constant 48 : i32
    %add3A_197 = arith.addi %mul3A_2, %add3A_196 : i32
    %dma_start3A_198 = arith.constant 3 : i32
    %dma_start3A_199 = arith.constant 0 : i32
    %dma_start3A_200 = arith.constant 0 : i32
    %dma_start3A_201 = tpu.memref_slice %arg6[%dma_start3A_198, %dma_start3A_199, %dma_start3A_200] : memref<6x16x1024xf32, #tpu.memory_space<vmem>> -> memref<1x16x1024xf32, #tpu.memory_space<vmem>>
    %dma_start3A_202 = tpu.memref_squeeze %dma_start3A_201 : memref<1x16x1024xf32, #tpu.memory_space<vmem>> -> memref<16x1024xf32, #tpu.memory_space<vmem>>
    %dma_start3A_203 = arith.constant 0 : i32
    %dma_start3A_204 = tpu.memref_slice %arg4[%add3A_197, %dma_start3A_203] : memref<32768x1024xf32, #tpu.memory_space<hbm>> -> memref<16x1024xf32, #tpu.memory_space<hbm>>
    %dma_start3A_205 = arith.constant 0 : i32
    %dma_start3A_206 = tpu.memref_slice %arg4[%add3A_197, %dma_start3A_205] : memref<32768x1024xf32, #tpu.memory_space<hbm>> -> memref<16x1024xf32, #tpu.memory_space<hbm>>
    %dma_start3A_207 = arith.constant 0 : i32
    %dma_start3A_208 = arith.constant 0 : i32
    %dma_start3A_209 = tpu.memref_slice %arg6[%dma_start3A_198, %dma_start3A_207, %dma_start3A_208] : memref<6x16x1024xf32, #tpu.memory_space<vmem>> -> memref<1x16x1024xf32, #tpu.memory_space<vmem>>
    %dma_start3A_210 = tpu.memref_squeeze %dma_start3A_209 : memref<1x16x1024xf32, #tpu.memory_space<vmem>> -> memref<16x1024xf32, #tpu.memory_space<vmem>>
    tpu.enqueue_dma source(%dma_start3A_210 : memref<16x1024xf32, #tpu.memory_space<vmem>>) target(%dma_start3A_206 : memref<16x1024xf32, #tpu.memory_space<hbm>>) target_semaphore(%arg16 : memref<!tpu.dma_semaphore, #tpu.memory_space<semaphore_mem>>)
    %dma_wait3A_211 = arith.constant 4 : i32
    %dma_wait3A_212 = arith.constant 0 : i32
    %dma_wait3A_213 = arith.constant 0 : i32
    %dma_wait3A_214 = tpu.memref_slice %arg6[%dma_wait3A_211, %dma_wait3A_212, %dma_wait3A_213] : memref<6x16x1024xf32, #tpu.memory_space<vmem>> -> memref<1x16x1024xf32, #tpu.memory_space<vmem>>
    %dma_wait3A_215 = tpu.memref_squeeze %dma_wait3A_214 : memref<1x16x1024xf32, #tpu.memory_space<vmem>> -> memref<16x1024xf32, #tpu.memory_space<vmem>>
    %dma_wait3A_216 = arith.constant 64 : i32
    %dma_wait3A_217 = tpu.memref_slice %arg5[%dma_wait3A_216] : memref<1024xi32, #tpu.memory_space<vmem>> -> memref<16xi32, #tpu.memory_space<vmem>>
    %dma_wait3A_218 = arith.constant 0 : i32
    %dma_wait3A_219 = arith.constant 0 : i32
    %dma_wait3A_220 = tpu.memref_slice %arg3[%dma_wait3A_218, %dma_wait3A_219] : memref<8192x1024xf32, #tpu.memory_space<hbm>> -> memref<8192x1024xf32, #tpu.memory_space<hbm>>
    tpu.wait_indirect_dma semaphore(%arg11 : memref<!tpu.dma_semaphore, #tpu.memory_space<semaphore_mem>>) src(%dma_wait3A_220 : memref<8192x1024xf32, #tpu.memory_space<hbm>>) dst(%dma_wait3A_215 : memref<16x1024xf32, #tpu.memory_space<vmem>>)
    %add3A_221 = arith.constant 32 : i32
    %add3A_222 = arith.addi %mul3A_2, %add3A_221 : i32
    %dma_wait3A_223 = arith.constant 2 : i32
    %dma_wait3A_224 = arith.constant 0 : i32
    %dma_wait3A_225 = arith.constant 0 : i32
    %dma_wait3A_226 = tpu.memref_slice %arg6[%dma_wait3A_223, %dma_wait3A_224, %dma_wait3A_225] : memref<6x16x1024xf32, #tpu.memory_space<vmem>> -> memref<1x16x1024xf32, #tpu.memory_space<vmem>>
    %dma_wait3A_227 = tpu.memref_squeeze %dma_wait3A_226 : memref<1x16x1024xf32, #tpu.memory_space<vmem>> -> memref<16x1024xf32, #tpu.memory_space<vmem>>
    %dma_wait3A_228 = arith.constant 0 : i32
    %dma_wait3A_229 = tpu.memref_slice %arg4[%add3A_222, %dma_wait3A_228] : memref<32768x1024xf32, #tpu.memory_space<hbm>> -> memref<16x1024xf32, #tpu.memory_space<hbm>>
    %dma_wait3A_230 = arith.constant 0 : i32
    %dma_wait3A_231 = tpu.memref_slice %arg4[%add3A_222, %dma_wait3A_230] : memref<32768x1024xf32, #tpu.memory_space<hbm>> -> memref<16x1024xf32, #tpu.memory_space<hbm>>
    %dma_wait3A_232 = arith.constant 0 : i32
    %dma_wait3A_233 = arith.constant 0 : i32
    %dma_wait3A_234 = tpu.memref_slice %arg6[%dma_wait3A_223, %dma_wait3A_232, %dma_wait3A_233] : memref<6x16x1024xf32, #tpu.memory_space<vmem>> -> memref<1x16x1024xf32, #tpu.memory_space<vmem>>
    %dma_wait3A_235 = tpu.memref_squeeze %dma_wait3A_234 : memref<1x16x1024xf32, #tpu.memory_space<vmem>> -> memref<16x1024xf32, #tpu.memory_space<vmem>>
    tpu.wait_dma2 semaphore(%arg15 : memref<!tpu.dma_semaphore, #tpu.memory_space<semaphore_mem>>) src(%dma_wait3A_235 : memref<16x1024xf32, #tpu.memory_space<vmem>>) dst(%dma_wait3A_231 : memref<16x1024xf32, #tpu.memory_space<hbm>>)
    %dma_start3A_236 = arith.constant 2 : i32
    %dma_start3A_237 = arith.constant 0 : i32
    %dma_start3A_238 = arith.constant 0 : i32
    %dma_start3A_239 = tpu.memref_slice %arg6[%dma_start3A_236, %dma_start3A_237, %dma_start3A_238] : memref<6x16x1024xf32, #tpu.memory_space<vmem>> -> memref<1x16x1024xf32, #tpu.memory_space<vmem>>
    %dma_start3A_240 = tpu.memref_squeeze %dma_start3A_239 : memref<1x16x1024xf32, #tpu.memory_space<vmem>> -> memref<16x1024xf32, #tpu.memory_space<vmem>>
    %dma_start3A_241 = arith.constant 128 : i32
    %dma_start3A_242 = tpu.memref_slice %arg5[%dma_start3A_241] : memref<1024xi32, #tpu.memory_space<vmem>> -> memref<16xi32, #tpu.memory_space<vmem>>
    %dma_start3A_243 = arith.constant 0 : i32
    %dma_start3A_244 = arith.constant 0 : i32
    %dma_start3A_245 = tpu.memref_slice %arg3[%dma_start3A_243, %dma_start3A_244] : memref<8192x1024xf32, #tpu.memory_space<hbm>> -> memref<8192x1024xf32, #tpu.memory_space<hbm>>
    tpu.enqueue_indirect_dma source(%dma_start3A_245 : memref<8192x1024xf32, #tpu.memory_space<hbm>>) target(%dma_start3A_240 : memref<16x1024xf32, #tpu.memory_space<vmem>>) offsets(%dma_start3A_242 : memref<16xi32, #tpu.memory_space<vmem>>) semaphore(%arg9 : memref<!tpu.dma_semaphore, #tpu.memory_space<semaphore_mem>>)
    %add3A_246 = arith.constant 64 : i32
    %add3A_247 = arith.addi %mul3A_2, %add3A_246 : i32
    %dma_start3A_248 = arith.constant 4 : i32
    %dma_start3A_249 = arith.constant 0 : i32
    %dma_start3A_250 = arith.constant 0 : i32
    %dma_start3A_251 = tpu.memref_slice %arg6[%dma_start3A_248, %dma_start3A_249, %dma_start3A_250] : memref<6x16x1024xf32, #tpu.memory_space<vmem>> -> memref<1x16x1024xf32, #tpu.memory_space<vmem>>
    %dma_start3A_252 = tpu.memref_squeeze %dma_start3A_251 : memref<1x16x1024xf32, #tpu.memory_space<vmem>> -> memref<16x1024xf32, #tpu.memory_space<vmem>>
    %dma_start3A_253 = arith.constant 0 : i32
    %dma_start3A_254 = tpu.memref_slice %arg4[%add3A_247, %dma_start3A_253] : memref<32768x1024xf32, #tpu.memory_space<hbm>> -> memref<16x1024xf32, #tpu.memory_space<hbm>>
    %dma_start3A_255 = arith.constant 0 : i32
    %dma_start3A_256 = tpu.memref_slice %arg4[%add3A_247, %dma_start3A_255] : memref<32768x1024xf32, #tpu.memory_space<hbm>> -> memref<16x1024xf32, #tpu.memory_space<hbm>>
    %dma_start3A_257 = arith.constant 0 : i32
    %dma_start3A_258 = arith.constant 0 : i32
    %dma_start3A_259 = tpu.memref_slice %arg6[%dma_start3A_248, %dma_start3A_257, %dma_start3A_258] : memref<6x16x1024xf32, #tpu.memory_space<vmem>> -> memref<1x16x1024xf32, #tpu.memory_space<vmem>>
    %dma_start3A_260 = tpu.memref_squeeze %dma_start3A_259 : memref<1x16x1024xf32, #tpu.memory_space<vmem>> -> memref<16x1024xf32, #tpu.memory_space<vmem>>
    tpu.enqueue_dma source(%dma_start3A_260 : memref<16x1024xf32, #tpu.memory_space<vmem>>) target(%dma_start3A_256 : memref<16x1024xf32, #tpu.memory_space<hbm>>) target_semaphore(%arg17 : memref<!tpu.dma_semaphore, #tpu.memory_space<semaphore_mem>>)
    %dma_wait3A_261 = arith.constant 5 : i32
    %dma_wait3A_262 = arith.constant 0 : i32
    %dma_wait3A_263 = arith.constant 0 : i32
    %dma_wait3A_264 = tpu.memref_slice %arg6[%dma_wait3A_261, %dma_wait3A_262, %dma_wait3A_263] : memref<6x16x1024xf32, #tpu.memory_space<vmem>> -> memref<1x16x1024xf32, #tpu.memory_space<vmem>>
    %dma_wait3A_265 = tpu.memref_squeeze %dma_wait3A_264 : memref<1x16x1024xf32, #tpu.memory_space<vmem>> -> memref<16x1024xf32, #tpu.memory_space<vmem>>
    %dma_wait3A_266 = arith.constant 80 : i32
    %dma_wait3A_267 = tpu.memref_slice %arg5[%dma_wait3A_266] : memref<1024xi32, #tpu.memory_space<vmem>> -> memref<16xi32, #tpu.memory_space<vmem>>
    %dma_wait3A_268 = arith.constant 0 : i32
    %dma_wait3A_269 = arith.constant 0 : i32
    %dma_wait3A_270 = tpu.memref_slice %arg3[%dma_wait3A_268, %dma_wait3A_269] : memref<8192x1024xf32, #tpu.memory_space<hbm>> -> memref<8192x1024xf32, #tpu.memory_space<hbm>>
    tpu.wait_indirect_dma semaphore(%arg12 : memref<!tpu.dma_semaphore, #tpu.memory_space<semaphore_mem>>) src(%dma_wait3A_270 : memref<8192x1024xf32, #tpu.memory_space<hbm>>) dst(%dma_wait3A_265 : memref<16x1024xf32, #tpu.memory_space<vmem>>)
    %add3A_271 = arith.constant 48 : i32
    %add3A_272 = arith.addi %mul3A_2, %add3A_271 : i32
    %dma_wait3A_273 = arith.constant 3 : i32
    %dma_wait3A_274 = arith.constant 0 : i32
    %dma_wait3A_275 = arith.constant 0 : i32
    %dma_wait3A_276 = tpu.memref_slice %arg6[%dma_wait3A_273, %dma_wait3A_274, %dma_wait3A_275] : memref<6x16x1024xf32, #tpu.memory_space<vmem>> -> memref<1x16x1024xf32, #tpu.memory_space<vmem>>
    %dma_wait3A_277 = tpu.memref_squeeze %dma_wait3A_276 : memref<1x16x1024xf32, #tpu.memory_space<vmem>> -> memref<16x1024xf32, #tpu.memory_space<vmem>>
    %dma_wait3A_278 = arith.constant 0 : i32
    %dma_wait3A_279 = tpu.memref_slice %arg4[%add3A_272, %dma_wait3A_278] : memref<32768x1024xf32, #tpu.memory_space<hbm>> -> memref<16x1024xf32, #tpu.memory_space<hbm>>
    %dma_wait3A_280 = arith.constant 0 : i32
    %dma_wait3A_281 = tpu.memref_slice %arg4[%add3A_272, %dma_wait3A_280] : memref<32768x1024xf32, #tpu.memory_space<hbm>> -> memref<16x1024xf32, #tpu.memory_space<hbm>>
    %dma_wait3A_282 = arith.constant 0 : i32
    %dma_wait3A_283 = arith.constant 0 : i32
    %dma_wait3A_284 = tpu.memref_slice %arg6[%dma_wait3A_273, %dma_wait3A_282, %dma_wait3A_283] : memref<6x16x1024xf32, #tpu.memory_space<vmem>> -> memref<1x16x1024xf32, #tpu.memory_space<vmem>>
    %dma_wait3A_285 = tpu.memref_squeeze %dma_wait3A_284 : memref<1x16x1024xf32, #tpu.memory_space<vmem>> -> memref<16x1024xf32, #tpu.memory_space<vmem>>
    tpu.wait_dma2 semaphore(%arg16 : memref<!tpu.dma_semaphore, #tpu.memory_space<semaphore_mem>>) src(%dma_wait3A_285 : memref<16x1024xf32, #tpu.memory_space<vmem>>) dst(%dma_wait3A_281 : memref<16x1024xf32, #tpu.memory_space<hbm>>)
    %dma_start3A_286 = arith.constant 3 : i32
    %dma_start3A_287 = arith.constant 0 : i32
    %dma_start3A_288 = arith.constant 0 : i32
    %dma_start3A_289 = tpu.memref_slice %arg6[%dma_start3A_286, %dma_start3A_287, %dma_start3A_288] : memref<6x16x1024xf32, #tpu.memory_space<vmem>> -> memref<1x16x1024xf32, #tpu.memory_space<vmem>>
    %dma_start3A_290 = tpu.memref_squeeze %dma_start3A_289 : memref<1x16x1024xf32, #tpu.memory_space<vmem>> -> memref<16x1024xf32, #tpu.memory_space<vmem>>
    %dma_start3A_291 = arith.constant 144 : i32
    %dma_start3A_292 = tpu.memref_slice %arg5[%dma_start3A_291] : memref<1024xi32, #tpu.memory_space<vmem>> -> memref<16xi32, #tpu.memory_space<vmem>>
    %dma_start3A_293 = arith.constant 0 : i32
    %dma_start3A_294 = arith.constant 0 : i32
    %dma_start3A_295 = tpu.memref_slice %arg3[%dma_start3A_293, %dma_start3A_294] : memref<8192x1024xf32, #tpu.memory_space<hbm>> -> memref<8192x1024xf32, #tpu.memory_space<hbm>>
    tpu.enqueue_indirect_dma source(%dma_start3A_295 : memref<8192x1024xf32, #tpu.memory_space<hbm>>) target(%dma_start3A_290 : memref<16x1024xf32, #tpu.memory_space<vmem>>) offsets(%dma_start3A_292 : memref<16xi32, #tpu.memory_space<vmem>>) semaphore(%arg10 : memref<!tpu.dma_semaphore, #tpu.memory_space<semaphore_mem>>)
    %add3A_296 = arith.constant 80 : i32
    %add3A_297 = arith.addi %mul3A_2, %add3A_296 : i32
    %dma_start3A_298 = arith.constant 5 : i32
    %dma_start3A_299 = arith.constant 0 : i32
    %dma_start3A_300 = arith.constant 0 : i32
    %dma_start3A_301 = tpu.memref_slice %arg6[%dma_start3A_298, %dma_start3A_299, %dma_start3A_300] : memref<6x16x1024xf32, #tpu.memory_space<vmem>> -> memref<1x16x1024xf32, #tpu.memory_space<vmem>>
    %dma_start3A_302 = tpu.memref_squeeze %dma_start3A_301 : memref<1x16x1024xf32, #tpu.memory_space<vmem>> -> memref<16x1024xf32, #tpu.memory_space<vmem>>
    %dma_start3A_303 = arith.constant 0 : i32
    %dma_start3A_304 = tpu.memref_slice %arg4[%add3A_297, %dma_start3A_303] : memref<32768x1024xf32, #tpu.memory_space<hbm>> -> memref<16x1024xf32, #tpu.memory_space<hbm>>
    %dma_start3A_305 = arith.constant 0 : i32
    %dma_start3A_306 = tpu.memref_slice %arg4[%add3A_297, %dma_start3A_305] : memref<32768x1024xf32, #tpu.memory_space<hbm>> -> memref<16x1024xf32, #tpu.memory_space<hbm>>
    %dma_start3A_307 = arith.constant 0 : i32
    %dma_start3A_308 = arith.constant 0 : i32
    %dma_start3A_309 = tpu.memref_slice %arg6[%dma_start3A_298, %dma_start3A_307, %dma_start3A_308] : memref<6x16x1024xf32, #tpu.memory_space<vmem>> -> memref<1x16x1024xf32, #tpu.memory_space<vmem>>
    %dma_start3A_310 = tpu.memref_squeeze %dma_start3A_309 : memref<1x16x1024xf32, #tpu.memory_space<vmem>> -> memref<16x1024xf32, #tpu.memory_space<vmem>>
    tpu.enqueue_dma source(%dma_start3A_310 : memref<16x1024xf32, #tpu.memory_space<vmem>>) target(%dma_start3A_306 : memref<16x1024xf32, #tpu.memory_space<hbm>>) target_semaphore(%arg18 : memref<!tpu.dma_semaphore, #tpu.memory_space<semaphore_mem>>)
    %scan3A = arith.constant 0 : i32
    %scan3A_311 = arith.constant 1 : i32
    %scan3A_312 = arith.constant 9 : i32
    %scan3A_313 = arith.addi %scan3A_311, %scan3A_312 : i32
    %scan3A_314 = arith.constant 1 : i32
    scf.for %scan3A_506 = %scan3A_311 to %scan3A_313 step %scan3A_314  : i32 {
      %mul3A_507 = arith.constant 6 : i32
      %mul3A_508 = arith.muli %mul3A_507, %scan3A_506 : i32
      %add3A_509 = arith.constant 0 : i32
      %add3A_510 = arith.addi %mul3A_508, %add3A_509 : i32
      %mul3A_511 = arith.constant 16 : i32
      %mul3A_512 = arith.muli %add3A_510, %mul3A_511 : i32
      %dma_wait3A_513 = arith.constant 0 : i32
      %dma_wait3A_514 = arith.constant 0 : i32
      %dma_wait3A_515 = arith.constant 0 : i32
      %dma_wait3A_516 = tpu.memref_slice %arg6[%dma_wait3A_513, %dma_wait3A_514, %dma_wait3A_515] : memref<6x16x1024xf32, #tpu.memory_space<vmem>> -> memref<1x16x1024xf32, #tpu.memory_space<vmem>>
      %dma_wait3A_517 = tpu.memref_squeeze %dma_wait3A_516 : memref<1x16x1024xf32, #tpu.memory_space<vmem>> -> memref<16x1024xf32, #tpu.memory_space<vmem>>
      %dma_wait3A_518 = tpu.memref_slice %arg5[%mul3A_512] : memref<1024xi32, #tpu.memory_space<vmem>> -> memref<16xi32, #tpu.memory_space<vmem>>
      %dma_wait3A_519 = arith.constant 0 : i32
      %dma_wait3A_520 = arith.constant 0 : i32
      %dma_wait3A_521 = tpu.memref_slice %arg3[%dma_wait3A_519, %dma_wait3A_520] : memref<8192x1024xf32, #tpu.memory_space<hbm>> -> memref<8192x1024xf32, #tpu.memory_space<hbm>>
      tpu.wait_indirect_dma semaphore(%arg7 : memref<!tpu.dma_semaphore, #tpu.memory_space<semaphore_mem>>) src(%dma_wait3A_521 : memref<8192x1024xf32, #tpu.memory_space<hbm>>) dst(%dma_wait3A_517 : memref<16x1024xf32, #tpu.memory_space<vmem>>)
      %add3A_522 = arith.constant 4 : i32
      %add3A_523 = arith.addi %add3A_510, %add3A_522 : i32
      %sub3A = arith.constant 6 : i32
      %sub3A_524 = arith.subi %add3A_523, %sub3A : i32
      %mul3A_525 = arith.constant 16 : i32
      %mul3A_526 = arith.muli %sub3A_524, %mul3A_525 : i32
      %add3A_527 = arith.addi %mul3A_2, %mul3A_526 : i32
      %dma_wait3A_528 = arith.constant 4 : i32
      %dma_wait3A_529 = arith.constant 0 : i32
      %dma_wait3A_530 = arith.constant 0 : i32
      %dma_wait3A_531 = tpu.memref_slice %arg6[%dma_wait3A_528, %dma_wait3A_529, %dma_wait3A_530] : memref<6x16x1024xf32, #tpu.memory_space<vmem>> -> memref<1x16x1024xf32, #tpu.memory_space<vmem>>
      %dma_wait3A_532 = tpu.memref_squeeze %dma_wait3A_531 : memref<1x16x1024xf32, #tpu.memory_space<vmem>> -> memref<16x1024xf32, #tpu.memory_space<vmem>>
      %dma_wait3A_533 = arith.constant 0 : i32
      %dma_wait3A_534 = tpu.memref_slice %arg4[%add3A_527, %dma_wait3A_533] : memref<32768x1024xf32, #tpu.memory_space<hbm>> -> memref<16x1024xf32, #tpu.memory_space<hbm>>
      %dma_wait3A_535 = arith.constant 0 : i32
      %dma_wait3A_536 = tpu.memref_slice %arg4[%add3A_527, %dma_wait3A_535] : memref<32768x1024xf32, #tpu.memory_space<hbm>> -> memref<16x1024xf32, #tpu.memory_space<hbm>>
      %dma_wait3A_537 = arith.constant 0 : i32
      %dma_wait3A_538 = arith.constant 0 : i32
      %dma_wait3A_539 = tpu.memref_slice %arg6[%dma_wait3A_528, %dma_wait3A_537, %dma_wait3A_538] : memref<6x16x1024xf32, #tpu.memory_space<vmem>> -> memref<1x16x1024xf32, #tpu.memory_space<vmem>>
      %dma_wait3A_540 = tpu.memref_squeeze %dma_wait3A_539 : memref<1x16x1024xf32, #tpu.memory_space<vmem>> -> memref<16x1024xf32, #tpu.memory_space<vmem>>
      tpu.wait_dma2 semaphore(%arg17 : memref<!tpu.dma_semaphore, #tpu.memory_space<semaphore_mem>>) src(%dma_wait3A_540 : memref<16x1024xf32, #tpu.memory_space<vmem>>) dst(%dma_wait3A_536 : memref<16x1024xf32, #tpu.memory_space<hbm>>)
      %add3A_541 = arith.constant 4 : i32
      %add3A_542 = arith.addi %add3A_510, %add3A_541 : i32
      %mul3A_543 = arith.constant 16 : i32
      %mul3A_544 = arith.muli %add3A_542, %mul3A_543 : i32
      %dma_start3A_545 = arith.constant 4 : i32
      %dma_start3A_546 = arith.constant 0 : i32
      %dma_start3A_547 = arith.constant 0 : i32
      %dma_start3A_548 = tpu.memref_slice %arg6[%dma_start3A_545, %dma_start3A_546, %dma_start3A_547] : memref<6x16x1024xf32, #tpu.memory_space<vmem>> -> memref<1x16x1024xf32, #tpu.memory_space<vmem>>
      %dma_start3A_549 = tpu.memref_squeeze %dma_start3A_548 : memref<1x16x1024xf32, #tpu.memory_space<vmem>> -> memref<16x1024xf32, #tpu.memory_space<vmem>>
      %dma_start3A_550 = tpu.memref_slice %arg5[%mul3A_544] : memref<1024xi32, #tpu.memory_space<vmem>> -> memref<16xi32, #tpu.memory_space<vmem>>
      %dma_start3A_551 = arith.constant 0 : i32
      %dma_start3A_552 = arith.constant 0 : i32
      %dma_start3A_553 = tpu.memref_slice %arg3[%dma_start3A_551, %dma_start3A_552] : memref<8192x1024xf32, #tpu.memory_space<hbm>> -> memref<8192x1024xf32, #tpu.memory_space<hbm>>
      tpu.enqueue_indirect_dma source(%dma_start3A_553 : memref<8192x1024xf32, #tpu.memory_space<hbm>>) target(%dma_start3A_549 : memref<16x1024xf32, #tpu.memory_space<vmem>>) offsets(%dma_start3A_550 : memref<16xi32, #tpu.memory_space<vmem>>) semaphore(%arg11 : memref<!tpu.dma_semaphore, #tpu.memory_space<semaphore_mem>>)
      %mul3A_554 = arith.constant 16 : i32
      %mul3A_555 = arith.muli %add3A_510, %mul3A_554 : i32
      %add3A_556 = arith.addi %mul3A_2, %mul3A_555 : i32
      %dma_start3A_557 = arith.constant 0 : i32
      %dma_start3A_558 = arith.constant 0 : i32
      %dma_start3A_559 = arith.constant 0 : i32
      %dma_start3A_560 = tpu.memref_slice %arg6[%dma_start3A_557, %dma_start3A_558, %dma_start3A_559] : memref<6x16x1024xf32, #tpu.memory_space<vmem>> -> memref<1x16x1024xf32, #tpu.memory_space<vmem>>
      %dma_start3A_561 = tpu.memref_squeeze %dma_start3A_560 : memref<1x16x1024xf32, #tpu.memory_space<vmem>> -> memref<16x1024xf32, #tpu.memory_space<vmem>>
      %dma_start3A_562 = arith.constant 0 : i32
      %dma_start3A_563 = tpu.memref_slice %arg4[%add3A_556, %dma_start3A_562] : memref<32768x1024xf32, #tpu.memory_space<hbm>> -> memref<16x1024xf32, #tpu.memory_space<hbm>>
      %dma_start3A_564 = arith.constant 0 : i32
      %dma_start3A_565 = tpu.memref_slice %arg4[%add3A_556, %dma_start3A_564] : memref<32768x1024xf32, #tpu.memory_space<hbm>> -> memref<16x1024xf32, #tpu.memory_space<hbm>>
      %dma_start3A_566 = arith.constant 0 : i32
      %dma_start3A_567 = arith.constant 0 : i32
      %dma_start3A_568 = tpu.memref_slice %arg6[%dma_start3A_557, %dma_start3A_566, %dma_start3A_567] : memref<6x16x1024xf32, #tpu.memory_space<vmem>> -> memref<1x16x1024xf32, #tpu.memory_space<vmem>>
      %dma_start3A_569 = tpu.memref_squeeze %dma_start3A_568 : memref<1x16x1024xf32, #tpu.memory_space<vmem>> -> memref<16x1024xf32, #tpu.memory_space<vmem>>
      tpu.enqueue_dma source(%dma_start3A_569 : memref<16x1024xf32, #tpu.memory_space<vmem>>) target(%dma_start3A_565 : memref<16x1024xf32, #tpu.memory_space<hbm>>) target_semaphore(%arg13 : memref<!tpu.dma_semaphore, #tpu.memory_space<semaphore_mem>>)
      %add3A_570 = arith.constant 1 : i32
      %add3A_571 = arith.addi %mul3A_508, %add3A_570 : i32
      %mul3A_572 = arith.constant 16 : i32
      %mul3A_573 = arith.muli %add3A_571, %mul3A_572 : i32
      %dma_wait3A_574 = arith.constant 1 : i32
      %dma_wait3A_575 = arith.constant 0 : i32
      %dma_wait3A_576 = arith.constant 0 : i32
      %dma_wait3A_577 = tpu.memref_slice %arg6[%dma_wait3A_574, %dma_wait3A_575, %dma_wait3A_576] : memref<6x16x1024xf32, #tpu.memory_space<vmem>> -> memref<1x16x1024xf32, #tpu.memory_space<vmem>>
      %dma_wait3A_578 = tpu.memref_squeeze %dma_wait3A_577 : memref<1x16x1024xf32, #tpu.memory_space<vmem>> -> memref<16x1024xf32, #tpu.memory_space<vmem>>
      %dma_wait3A_579 = tpu.memref_slice %arg5[%mul3A_573] : memref<1024xi32, #tpu.memory_space<vmem>> -> memref<16xi32, #tpu.memory_space<vmem>>
      %dma_wait3A_580 = arith.constant 0 : i32
      %dma_wait3A_581 = arith.constant 0 : i32
      %dma_wait3A_582 = tpu.memref_slice %arg3[%dma_wait3A_580, %dma_wait3A_581] : memref<8192x1024xf32, #tpu.memory_space<hbm>> -> memref<8192x1024xf32, #tpu.memory_space<hbm>>
      tpu.wait_indirect_dma semaphore(%arg8 : memref<!tpu.dma_semaphore, #tpu.memory_space<semaphore_mem>>) src(%dma_wait3A_582 : memref<8192x1024xf32, #tpu.memory_space<hbm>>) dst(%dma_wait3A_578 : memref<16x1024xf32, #tpu.memory_space<vmem>>)
      %add3A_583 = arith.constant 4 : i32
      %add3A_584 = arith.addi %add3A_571, %add3A_583 : i32
      %sub3A_585 = arith.constant 6 : i32
      %sub3A_586 = arith.subi %add3A_584, %sub3A_585 : i32
      %mul3A_587 = arith.constant 16 : i32
      %mul3A_588 = arith.muli %sub3A_586, %mul3A_587 : i32
      %add3A_589 = arith.addi %mul3A_2, %mul3A_588 : i32
      %dma_wait3A_590 = arith.constant 5 : i32
      %dma_wait3A_591 = arith.constant 0 : i32
      %dma_wait3A_592 = arith.constant 0 : i32
      %dma_wait3A_593 = tpu.memref_slice %arg6[%dma_wait3A_590, %dma_wait3A_591, %dma_wait3A_592] : memref<6x16x1024xf32, #tpu.memory_space<vmem>> -> memref<1x16x1024xf32, #tpu.memory_space<vmem>>
      %dma_wait3A_594 = tpu.memref_squeeze %dma_wait3A_593 : memref<1x16x1024xf32, #tpu.memory_space<vmem>> -> memref<16x1024xf32, #tpu.memory_space<vmem>>
      %dma_wait3A_595 = arith.constant 0 : i32
      %dma_wait3A_596 = tpu.memref_slice %arg4[%add3A_589, %dma_wait3A_595] : memref<32768x1024xf32, #tpu.memory_space<hbm>> -> memref<16x1024xf32, #tpu.memory_space<hbm>>
      %dma_wait3A_597 = arith.constant 0 : i32
      %dma_wait3A_598 = tpu.memref_slice %arg4[%add3A_589, %dma_wait3A_597] : memref<32768x1024xf32, #tpu.memory_space<hbm>> -> memref<16x1024xf32, #tpu.memory_space<hbm>>
      %dma_wait3A_599 = arith.constant 0 : i32
      %dma_wait3A_600 = arith.constant 0 : i32
      %dma_wait3A_601 = tpu.memref_slice %arg6[%dma_wait3A_590, %dma_wait3A_599, %dma_wait3A_600] : memref<6x16x1024xf32, #tpu.memory_space<vmem>> -> memref<1x16x1024xf32, #tpu.memory_space<vmem>>
      %dma_wait3A_602 = tpu.memref_squeeze %dma_wait3A_601 : memref<1x16x1024xf32, #tpu.memory_space<vmem>> -> memref<16x1024xf32, #tpu.memory_space<vmem>>
      tpu.wait_dma2 semaphore(%arg18 : memref<!tpu.dma_semaphore, #tpu.memory_space<semaphore_mem>>) src(%dma_wait3A_602 : memref<16x1024xf32, #tpu.memory_space<vmem>>) dst(%dma_wait3A_598 : memref<16x1024xf32, #tpu.memory_space<hbm>>)
      %add3A_603 = arith.constant 4 : i32
      %add3A_604 = arith.addi %add3A_571, %add3A_603 : i32
      %mul3A_605 = arith.constant 16 : i32
      %mul3A_606 = arith.muli %add3A_604, %mul3A_605 : i32
      %dma_start3A_607 = arith.constant 5 : i32
      %dma_start3A_608 = arith.constant 0 : i32
      %dma_start3A_609 = arith.constant 0 : i32
      %dma_start3A_610 = tpu.memref_slice %arg6[%dma_start3A_607, %dma_start3A_608, %dma_start3A_609] : memref<6x16x1024xf32, #tpu.memory_space<vmem>> -> memref<1x16x1024xf32, #tpu.memory_space<vmem>>
      %dma_start3A_611 = tpu.memref_squeeze %dma_start3A_610 : memref<1x16x1024xf32, #tpu.memory_space<vmem>> -> memref<16x1024xf32, #tpu.memory_space<vmem>>
      %dma_start3A_612 = tpu.memref_slice %arg5[%mul3A_606] : memref<1024xi32, #tpu.memory_space<vmem>> -> memref<16xi32, #tpu.memory_space<vmem>>
      %dma_start3A_613 = arith.constant 0 : i32
      %dma_start3A_614 = arith.constant 0 : i32
      %dma_start3A_615 = tpu.memref_slice %arg3[%dma_start3A_613, %dma_start3A_614] : memref<8192x1024xf32, #tpu.memory_space<hbm>> -> memref<8192x1024xf32, #tpu.memory_space<hbm>>
      tpu.enqueue_indirect_dma source(%dma_start3A_615 : memref<8192x1024xf32, #tpu.memory_space<hbm>>) target(%dma_start3A_611 : memref<16x1024xf32, #tpu.memory_space<vmem>>) offsets(%dma_start3A_612 : memref<16xi32, #tpu.memory_space<vmem>>) semaphore(%arg12 : memref<!tpu.dma_semaphore, #tpu.memory_space<semaphore_mem>>)
      %mul3A_616 = arith.constant 16 : i32
      %mul3A_617 = arith.muli %add3A_571, %mul3A_616 : i32
      %add3A_618 = arith.addi %mul3A_2, %mul3A_617 : i32
      %dma_start3A_619 = arith.constant 1 : i32
      %dma_start3A_620 = arith.constant 0 : i32
      %dma_start3A_621 = arith.constant 0 : i32
      %dma_start3A_622 = tpu.memref_slice %arg6[%dma_start3A_619, %dma_start3A_620, %dma_start3A_621] : memref<6x16x1024xf32, #tpu.memory_space<vmem>> -> memref<1x16x1024xf32, #tpu.memory_space<vmem>>
      %dma_start3A_623 = tpu.memref_squeeze %dma_start3A_622 : memref<1x16x1024xf32, #tpu.memory_space<vmem>> -> memref<16x1024xf32, #tpu.memory_space<vmem>>
      %dma_start3A_624 = arith.constant 0 : i32
      %dma_start3A_625 = tpu.memref_slice %arg4[%add3A_618, %dma_start3A_624] : memref<32768x1024xf32, #tpu.memory_space<hbm>> -> memref<16x1024xf32, #tpu.memory_space<hbm>>
      %dma_start3A_626 = arith.constant 0 : i32
      %dma_start3A_627 = tpu.memref_slice %arg4[%add3A_618, %dma_start3A_626] : memref<32768x1024xf32, #tpu.memory_space<hbm>> -> memref<16x1024xf32, #tpu.memory_space<hbm>>
      %dma_start3A_628 = arith.constant 0 : i32
      %dma_start3A_629 = arith.constant 0 : i32
      %dma_start3A_630 = tpu.memref_slice %arg6[%dma_start3A_619, %dma_start3A_628, %dma_start3A_629] : memref<6x16x1024xf32, #tpu.memory_space<vmem>> -> memref<1x16x1024xf32, #tpu.memory_space<vmem>>
      %dma_start3A_631 = tpu.memref_squeeze %dma_start3A_630 : memref<1x16x1024xf32, #tpu.memory_space<vmem>> -> memref<16x1024xf32, #tpu.memory_space<vmem>>
      tpu.enqueue_dma source(%dma_start3A_631 : memref<16x1024xf32, #tpu.memory_space<vmem>>) target(%dma_start3A_627 : memref<16x1024xf32, #tpu.memory_space<hbm>>) target_semaphore(%arg14 : memref<!tpu.dma_semaphore, #tpu.memory_space<semaphore_mem>>)
      %add3A_632 = arith.constant 2 : i32
      %add3A_633 = arith.addi %mul3A_508, %add3A_632 : i32
      %mul3A_634 = arith.constant 16 : i32
      %mul3A_635 = arith.muli %add3A_633, %mul3A_634 : i32
      %dma_wait3A_636 = arith.constant 2 : i32
      %dma_wait3A_637 = arith.constant 0 : i32
      %dma_wait3A_638 = arith.constant 0 : i32
      %dma_wait3A_639 = tpu.memref_slice %arg6[%dma_wait3A_636, %dma_wait3A_637, %dma_wait3A_638] : memref<6x16x1024xf32, #tpu.memory_space<vmem>> -> memref<1x16x1024xf32, #tpu.memory_space<vmem>>
      %dma_wait3A_640 = tpu.memref_squeeze %dma_wait3A_639 : memref<1x16x1024xf32, #tpu.memory_space<vmem>> -> memref<16x1024xf32, #tpu.memory_space<vmem>>
      %dma_wait3A_641 = tpu.memref_slice %arg5[%mul3A_635] : memref<1024xi32, #tpu.memory_space<vmem>> -> memref<16xi32, #tpu.memory_space<vmem>>
      %dma_wait3A_642 = arith.constant 0 : i32
      %dma_wait3A_643 = arith.constant 0 : i32
      %dma_wait3A_644 = tpu.memref_slice %arg3[%dma_wait3A_642, %dma_wait3A_643] : memref<8192x1024xf32, #tpu.memory_space<hbm>> -> memref<8192x1024xf32, #tpu.memory_space<hbm>>
      tpu.wait_indirect_dma semaphore(%arg9 : memref<!tpu.dma_semaphore, #tpu.memory_space<semaphore_mem>>) src(%dma_wait3A_644 : memref<8192x1024xf32, #tpu.memory_space<hbm>>) dst(%dma_wait3A_640 : memref<16x1024xf32, #tpu.memory_space<vmem>>)
      %add3A_645 = arith.constant 4 : i32
      %add3A_646 = arith.addi %add3A_633, %add3A_645 : i32
      %sub3A_647 = arith.constant 6 : i32
      %sub3A_648 = arith.subi %add3A_646, %sub3A_647 : i32
      %mul3A_649 = arith.constant 16 : i32
      %mul3A_650 = arith.muli %sub3A_648, %mul3A_649 : i32
      %add3A_651 = arith.addi %mul3A_2, %mul3A_650 : i32
      %dma_wait3A_652 = arith.constant 0 : i32
      %dma_wait3A_653 = arith.constant 0 : i32
      %dma_wait3A_654 = arith.constant 0 : i32
      %dma_wait3A_655 = tpu.memref_slice %arg6[%dma_wait3A_652, %dma_wait3A_653, %dma_wait3A_654] : memref<6x16x1024xf32, #tpu.memory_space<vmem>> -> memref<1x16x1024xf32, #tpu.memory_space<vmem>>
      %dma_wait3A_656 = tpu.memref_squeeze %dma_wait3A_655 : memref<1x16x1024xf32, #tpu.memory_space<vmem>> -> memref<16x1024xf32, #tpu.memory_space<vmem>>
      %dma_wait3A_657 = arith.constant 0 : i32
      %dma_wait3A_658 = tpu.memref_slice %arg4[%add3A_651, %dma_wait3A_657] : memref<32768x1024xf32, #tpu.memory_space<hbm>> -> memref<16x1024xf32, #tpu.memory_space<hbm>>
      %dma_wait3A_659 = arith.constant 0 : i32
      %dma_wait3A_660 = tpu.memref_slice %arg4[%add3A_651, %dma_wait3A_659] : memref<32768x1024xf32, #tpu.memory_space<hbm>> -> memref<16x1024xf32, #tpu.memory_space<hbm>>
      %dma_wait3A_661 = arith.constant 0 : i32
      %dma_wait3A_662 = arith.constant 0 : i32
      %dma_wait3A_663 = tpu.memref_slice %arg6[%dma_wait3A_652, %dma_wait3A_661, %dma_wait3A_662] : memref<6x16x1024xf32, #tpu.memory_space<vmem>> -> memref<1x16x1024xf32, #tpu.memory_space<vmem>>
      %dma_wait3A_664 = tpu.memref_squeeze %dma_wait3A_663 : memref<1x16x1024xf32, #tpu.memory_space<vmem>> -> memref<16x1024xf32, #tpu.memory_space<vmem>>
      tpu.wait_dma2 semaphore(%arg13 : memref<!tpu.dma_semaphore, #tpu.memory_space<semaphore_mem>>) src(%dma_wait3A_664 : memref<16x1024xf32, #tpu.memory_space<vmem>>) dst(%dma_wait3A_660 : memref<16x1024xf32, #tpu.memory_space<hbm>>)
      %add3A_665 = arith.constant 4 : i32
      %add3A_666 = arith.addi %add3A_633, %add3A_665 : i32
      %mul3A_667 = arith.constant 16 : i32
      %mul3A_668 = arith.muli %add3A_666, %mul3A_667 : i32
      %dma_start3A_669 = arith.constant 0 : i32
      %dma_start3A_670 = arith.constant 0 : i32
      %dma_start3A_671 = arith.constant 0 : i32
      %dma_start3A_672 = tpu.memref_slice %arg6[%dma_start3A_669, %dma_start3A_670, %dma_start3A_671] : memref<6x16x1024xf32, #tpu.memory_space<vmem>> -> memref<1x16x1024xf32, #tpu.memory_space<vmem>>
      %dma_start3A_673 = tpu.memref_squeeze %dma_start3A_672 : memref<1x16x1024xf32, #tpu.memory_space<vmem>> -> memref<16x1024xf32, #tpu.memory_space<vmem>>
      %dma_start3A_674 = tpu.memref_slice %arg5[%mul3A_668] : memref<1024xi32, #tpu.memory_space<vmem>> -> memref<16xi32, #tpu.memory_space<vmem>>
      %dma_start3A_675 = arith.constant 0 : i32
      %dma_start3A_676 = arith.constant 0 : i32
      %dma_start3A_677 = tpu.memref_slice %arg3[%dma_start3A_675, %dma_start3A_676] : memref<8192x1024xf32, #tpu.memory_space<hbm>> -> memref<8192x1024xf32, #tpu.memory_space<hbm>>
      tpu.enqueue_indirect_dma source(%dma_start3A_677 : memref<8192x1024xf32, #tpu.memory_space<hbm>>) target(%dma_start3A_673 : memref<16x1024xf32, #tpu.memory_space<vmem>>) offsets(%dma_start3A_674 : memref<16xi32, #tpu.memory_space<vmem>>) semaphore(%arg7 : memref<!tpu.dma_semaphore, #tpu.memory_space<semaphore_mem>>)
      %mul3A_678 = arith.constant 16 : i32
      %mul3A_679 = arith.muli %add3A_633, %mul3A_678 : i32
      %add3A_680 = arith.addi %mul3A_2, %mul3A_679 : i32
      %dma_start3A_681 = arith.constant 2 : i32
      %dma_start3A_682 = arith.constant 0 : i32
      %dma_start3A_683 = arith.constant 0 : i32
      %dma_start3A_684 = tpu.memref_slice %arg6[%dma_start3A_681, %dma_start3A_682, %dma_start3A_683] : memref<6x16x1024xf32, #tpu.memory_space<vmem>> -> memref<1x16x1024xf32, #tpu.memory_space<vmem>>
      %dma_start3A_685 = tpu.memref_squeeze %dma_start3A_684 : memref<1x16x1024xf32, #tpu.memory_space<vmem>> -> memref<16x1024xf32, #tpu.memory_space<vmem>>
      %dma_start3A_686 = arith.constant 0 : i32
      %dma_start3A_687 = tpu.memref_slice %arg4[%add3A_680, %dma_start3A_686] : memref<32768x1024xf32, #tpu.memory_space<hbm>> -> memref<16x1024xf32, #tpu.memory_space<hbm>>
      %dma_start3A_688 = arith.constant 0 : i32
      %dma_start3A_689 = tpu.memref_slice %arg4[%add3A_680, %dma_start3A_688] : memref<32768x1024xf32, #tpu.memory_space<hbm>> -> memref<16x1024xf32, #tpu.memory_space<hbm>>
      %dma_start3A_690 = arith.constant 0 : i32
      %dma_start3A_691 = arith.constant 0 : i32
      %dma_start3A_692 = tpu.memref_slice %arg6[%dma_start3A_681, %dma_start3A_690, %dma_start3A_691] : memref<6x16x1024xf32, #tpu.memory_space<vmem>> -> memref<1x16x1024xf32, #tpu.memory_space<vmem>>
      %dma_start3A_693 = tpu.memref_squeeze %dma_start3A_692 : memref<1x16x1024xf32, #tpu.memory_space<vmem>> -> memref<16x1024xf32, #tpu.memory_space<vmem>>
      tpu.enqueue_dma source(%dma_start3A_693 : memref<16x1024xf32, #tpu.memory_space<vmem>>) target(%dma_start3A_689 : memref<16x1024xf32, #tpu.memory_space<hbm>>) target_semaphore(%arg15 : memref<!tpu.dma_semaphore, #tpu.memory_space<semaphore_mem>>)
      %add3A_694 = arith.constant 3 : i32
      %add3A_695 = arith.addi %mul3A_508, %add3A_694 : i32
      %mul3A_696 = arith.constant 16 : i32
      %mul3A_697 = arith.muli %add3A_695, %mul3A_696 : i32
      %dma_wait3A_698 = arith.constant 3 : i32
      %dma_wait3A_699 = arith.constant 0 : i32
      %dma_wait3A_700 = arith.constant 0 : i32
      %dma_wait3A_701 = tpu.memref_slice %arg6[%dma_wait3A_698, %dma_wait3A_699, %dma_wait3A_700] : memref<6x16x1024xf32, #tpu.memory_space<vmem>> -> memref<1x16x1024xf32, #tpu.memory_space<vmem>>
      %dma_wait3A_702 = tpu.memref_squeeze %dma_wait3A_701 : memref<1x16x1024xf32, #tpu.memory_space<vmem>> -> memref<16x1024xf32, #tpu.memory_space<vmem>>
      %dma_wait3A_703 = tpu.memref_slice %arg5[%mul3A_697] : memref<1024xi32, #tpu.memory_space<vmem>> -> memref<16xi32, #tpu.memory_space<vmem>>
      %dma_wait3A_704 = arith.constant 0 : i32
      %dma_wait3A_705 = arith.constant 0 : i32
      %dma_wait3A_706 = tpu.memref_slice %arg3[%dma_wait3A_704, %dma_wait3A_705] : memref<8192x1024xf32, #tpu.memory_space<hbm>> -> memref<8192x1024xf32, #tpu.memory_space<hbm>>
      tpu.wait_indirect_dma semaphore(%arg10 : memref<!tpu.dma_semaphore, #tpu.memory_space<semaphore_mem>>) src(%dma_wait3A_706 : memref<8192x1024xf32, #tpu.memory_space<hbm>>) dst(%dma_wait3A_702 : memref<16x1024xf32, #tpu.memory_space<vmem>>)
      %add3A_707 = arith.constant 4 : i32
      %add3A_708 = arith.addi %add3A_695, %add3A_707 : i32
      %sub3A_709 = arith.constant 6 : i32
      %sub3A_710 = arith.subi %add3A_708, %sub3A_709 : i32
      %mul3A_711 = arith.constant 16 : i32
      %mul3A_712 = arith.muli %sub3A_710, %mul3A_711 : i32
      %add3A_713 = arith.addi %mul3A_2, %mul3A_712 : i32
      %dma_wait3A_714 = arith.constant 1 : i32
      %dma_wait3A_715 = arith.constant 0 : i32
      %dma_wait3A_716 = arith.constant 0 : i32
      %dma_wait3A_717 = tpu.memref_slice %arg6[%dma_wait3A_714, %dma_wait3A_715, %dma_wait3A_716] : memref<6x16x1024xf32, #tpu.memory_space<vmem>> -> memref<1x16x1024xf32, #tpu.memory_space<vmem>>
      %dma_wait3A_718 = tpu.memref_squeeze %dma_wait3A_717 : memref<1x16x1024xf32, #tpu.memory_space<vmem>> -> memref<16x1024xf32, #tpu.memory_space<vmem>>
      %dma_wait3A_719 = arith.constant 0 : i32
      %dma_wait3A_720 = tpu.memref_slice %arg4[%add3A_713, %dma_wait3A_719] : memref<32768x1024xf32, #tpu.memory_space<hbm>> -> memref<16x1024xf32, #tpu.memory_space<hbm>>
      %dma_wait3A_721 = arith.constant 0 : i32
      %dma_wait3A_722 = tpu.memref_slice %arg4[%add3A_713, %dma_wait3A_721] : memref<32768x1024xf32, #tpu.memory_space<hbm>> -> memref<16x1024xf32, #tpu.memory_space<hbm>>
      %dma_wait3A_723 = arith.constant 0 : i32
      %dma_wait3A_724 = arith.constant 0 : i32
      %dma_wait3A_725 = tpu.memref_slice %arg6[%dma_wait3A_714, %dma_wait3A_723, %dma_wait3A_724] : memref<6x16x1024xf32, #tpu.memory_space<vmem>> -> memref<1x16x1024xf32, #tpu.memory_space<vmem>>
      %dma_wait3A_726 = tpu.memref_squeeze %dma_wait3A_725 : memref<1x16x1024xf32, #tpu.memory_space<vmem>> -> memref<16x1024xf32, #tpu.memory_space<vmem>>
      tpu.wait_dma2 semaphore(%arg14 : memref<!tpu.dma_semaphore, #tpu.memory_space<semaphore_mem>>) src(%dma_wait3A_726 : memref<16x1024xf32, #tpu.memory_space<vmem>>) dst(%dma_wait3A_722 : memref<16x1024xf32, #tpu.memory_space<hbm>>)
      %add3A_727 = arith.constant 4 : i32
      %add3A_728 = arith.addi %add3A_695, %add3A_727 : i32
      %mul3A_729 = arith.constant 16 : i32
      %mul3A_730 = arith.muli %add3A_728, %mul3A_729 : i32
      %dma_start3A_731 = arith.constant 1 : i32
      %dma_start3A_732 = arith.constant 0 : i32
      %dma_start3A_733 = arith.constant 0 : i32
      %dma_start3A_734 = tpu.memref_slice %arg6[%dma_start3A_731, %dma_start3A_732, %dma_start3A_733] : memref<6x16x1024xf32, #tpu.memory_space<vmem>> -> memref<1x16x1024xf32, #tpu.memory_space<vmem>>
      %dma_start3A_735 = tpu.memref_squeeze %dma_start3A_734 : memref<1x16x1024xf32, #tpu.memory_space<vmem>> -> memref<16x1024xf32, #tpu.memory_space<vmem>>
      %dma_start3A_736 = tpu.memref_slice %arg5[%mul3A_730] : memref<1024xi32, #tpu.memory_space<vmem>> -> memref<16xi32, #tpu.memory_space<vmem>>
      %dma_start3A_737 = arith.constant 0 : i32
      %dma_start3A_738 = arith.constant 0 : i32
      %dma_start3A_739 = tpu.memref_slice %arg3[%dma_start3A_737, %dma_start3A_738] : memref<8192x1024xf32, #tpu.memory_space<hbm>> -> memref<8192x1024xf32, #tpu.memory_space<hbm>>
      tpu.enqueue_indirect_dma source(%dma_start3A_739 : memref<8192x1024xf32, #tpu.memory_space<hbm>>) target(%dma_start3A_735 : memref<16x1024xf32, #tpu.memory_space<vmem>>) offsets(%dma_start3A_736 : memref<16xi32, #tpu.memory_space<vmem>>) semaphore(%arg8 : memref<!tpu.dma_semaphore, #tpu.memory_space<semaphore_mem>>)
      %mul3A_740 = arith.constant 16 : i32
      %mul3A_741 = arith.muli %add3A_695, %mul3A_740 : i32
      %add3A_742 = arith.addi %mul3A_2, %mul3A_741 : i32
      %dma_start3A_743 = arith.constant 3 : i32
      %dma_start3A_744 = arith.constant 0 : i32
      %dma_start3A_745 = arith.constant 0 : i32
      %dma_start3A_746 = tpu.memref_slice %arg6[%dma_start3A_743, %dma_start3A_744, %dma_start3A_745] : memref<6x16x1024xf32, #tpu.memory_space<vmem>> -> memref<1x16x1024xf32, #tpu.memory_space<vmem>>
      %dma_start3A_747 = tpu.memref_squeeze %dma_start3A_746 : memref<1x16x1024xf32, #tpu.memory_space<vmem>> -> memref<16x1024xf32, #tpu.memory_space<vmem>>
      %dma_start3A_748 = arith.constant 0 : i32
      %dma_start3A_749 = tpu.memref_slice %arg4[%add3A_742, %dma_start3A_748] : memref<32768x1024xf32, #tpu.memory_space<hbm>> -> memref<16x1024xf32, #tpu.memory_space<hbm>>
      %dma_start3A_750 = arith.constant 0 : i32
      %dma_start3A_751 = tpu.memref_slice %arg4[%add3A_742, %dma_start3A_750] : memref<32768x1024xf32, #tpu.memory_space<hbm>> -> memref<16x1024xf32, #tpu.memory_space<hbm>>
      %dma_start3A_752 = arith.constant 0 : i32
      %dma_start3A_753 = arith.constant 0 : i32
      %dma_start3A_754 = tpu.memref_slice %arg6[%dma_start3A_743, %dma_start3A_752, %dma_start3A_753] : memref<6x16x1024xf32, #tpu.memory_space<vmem>> -> memref<1x16x1024xf32, #tpu.memory_space<vmem>>
      %dma_start3A_755 = tpu.memref_squeeze %dma_start3A_754 : memref<1x16x1024xf32, #tpu.memory_space<vmem>> -> memref<16x1024xf32, #tpu.memory_space<vmem>>
      tpu.enqueue_dma source(%dma_start3A_755 : memref<16x1024xf32, #tpu.memory_space<vmem>>) target(%dma_start3A_751 : memref<16x1024xf32, #tpu.memory_space<hbm>>) target_semaphore(%arg16 : memref<!tpu.dma_semaphore, #tpu.memory_space<semaphore_mem>>)
      %add3A_756 = arith.constant 4 : i32
      %add3A_757 = arith.addi %mul3A_508, %add3A_756 : i32
      %mul3A_758 = arith.constant 16 : i32
      %mul3A_759 = arith.muli %add3A_757, %mul3A_758 : i32
      %dma_wait3A_760 = arith.constant 4 : i32
      %dma_wait3A_761 = arith.constant 0 : i32
      %dma_wait3A_762 = arith.constant 0 : i32
      %dma_wait3A_763 = tpu.memref_slice %arg6[%dma_wait3A_760, %dma_wait3A_761, %dma_wait3A_762] : memref<6x16x1024xf32, #tpu.memory_space<vmem>> -> memref<1x16x1024xf32, #tpu.memory_space<vmem>>
      %dma_wait3A_764 = tpu.memref_squeeze %dma_wait3A_763 : memref<1x16x1024xf32, #tpu.memory_space<vmem>> -> memref<16x1024xf32, #tpu.memory_space<vmem>>
      %dma_wait3A_765 = tpu.memref_slice %arg5[%mul3A_759] : memref<1024xi32, #tpu.memory_space<vmem>> -> memref<16xi32, #tpu.memory_space<vmem>>
      %dma_wait3A_766 = arith.constant 0 : i32
      %dma_wait3A_767 = arith.constant 0 : i32
      %dma_wait3A_768 = tpu.memref_slice %arg3[%dma_wait3A_766, %dma_wait3A_767] : memref<8192x1024xf32, #tpu.memory_space<hbm>> -> memref<8192x1024xf32, #tpu.memory_space<hbm>>
      tpu.wait_indirect_dma semaphore(%arg11 : memref<!tpu.dma_semaphore, #tpu.memory_space<semaphore_mem>>) src(%dma_wait3A_768 : memref<8192x1024xf32, #tpu.memory_space<hbm>>) dst(%dma_wait3A_764 : memref<16x1024xf32, #tpu.memory_space<vmem>>)
      %add3A_769 = arith.constant 4 : i32
      %add3A_770 = arith.addi %add3A_757, %add3A_769 : i32
      %sub3A_771 = arith.constant 6 : i32
      %sub3A_772 = arith.subi %add3A_770, %sub3A_771 : i32
      %mul3A_773 = arith.constant 16 : i32
      %mul3A_774 = arith.muli %sub3A_772, %mul3A_773 : i32
      %add3A_775 = arith.addi %mul3A_2, %mul3A_774 : i32
      %dma_wait3A_776 = arith.constant 2 : i32
      %dma_wait3A_777 = arith.constant 0 : i32
      %dma_wait3A_778 = arith.constant 0 : i32
      %dma_wait3A_779 = tpu.memref_slice %arg6[%dma_wait3A_776, %dma_wait3A_777, %dma_wait3A_778] : memref<6x16x1024xf32, #tpu.memory_space<vmem>> -> memref<1x16x1024xf32, #tpu.memory_space<vmem>>
      %dma_wait3A_780 = tpu.memref_squeeze %dma_wait3A_779 : memref<1x16x1024xf32, #tpu.memory_space<vmem>> -> memref<16x1024xf32, #tpu.memory_space<vmem>>
      %dma_wait3A_781 = arith.constant 0 : i32
      %dma_wait3A_782 = tpu.memref_slice %arg4[%add3A_775, %dma_wait3A_781] : memref<32768x1024xf32, #tpu.memory_space<hbm>> -> memref<16x1024xf32, #tpu.memory_space<hbm>>
      %dma_wait3A_783 = arith.constant 0 : i32
      %dma_wait3A_784 = tpu.memref_slice %arg4[%add3A_775, %dma_wait3A_783] : memref<32768x1024xf32, #tpu.memory_space<hbm>> -> memref<16x1024xf32, #tpu.memory_space<hbm>>
      %dma_wait3A_785 = arith.constant 0 : i32
      %dma_wait3A_786 = arith.constant 0 : i32
      %dma_wait3A_787 = tpu.memref_slice %arg6[%dma_wait3A_776, %dma_wait3A_785, %dma_wait3A_786] : memref<6x16x1024xf32, #tpu.memory_space<vmem>> -> memref<1x16x1024xf32, #tpu.memory_space<vmem>>
      %dma_wait3A_788 = tpu.memref_squeeze %dma_wait3A_787 : memref<1x16x1024xf32, #tpu.memory_space<vmem>> -> memref<16x1024xf32, #tpu.memory_space<vmem>>
      tpu.wait_dma2 semaphore(%arg15 : memref<!tpu.dma_semaphore, #tpu.memory_space<semaphore_mem>>) src(%dma_wait3A_788 : memref<16x1024xf32, #tpu.memory_space<vmem>>) dst(%dma_wait3A_784 : memref<16x1024xf32, #tpu.memory_space<hbm>>)
      %add3A_789 = arith.constant 4 : i32
      %add3A_790 = arith.addi %add3A_757, %add3A_789 : i32
      %mul3A_791 = arith.constant 16 : i32
      %mul3A_792 = arith.muli %add3A_790, %mul3A_791 : i32
      %dma_start3A_793 = arith.constant 2 : i32
      %dma_start3A_794 = arith.constant 0 : i32
      %dma_start3A_795 = arith.constant 0 : i32
      %dma_start3A_796 = tpu.memref_slice %arg6[%dma_start3A_793, %dma_start3A_794, %dma_start3A_795] : memref<6x16x1024xf32, #tpu.memory_space<vmem>> -> memref<1x16x1024xf32, #tpu.memory_space<vmem>>
      %dma_start3A_797 = tpu.memref_squeeze %dma_start3A_796 : memref<1x16x1024xf32, #tpu.memory_space<vmem>> -> memref<16x1024xf32, #tpu.memory_space<vmem>>
      %dma_start3A_798 = tpu.memref_slice %arg5[%mul3A_792] : memref<1024xi32, #tpu.memory_space<vmem>> -> memref<16xi32, #tpu.memory_space<vmem>>
      %dma_start3A_799 = arith.constant 0 : i32
      %dma_start3A_800 = arith.constant 0 : i32
      %dma_start3A_801 = tpu.memref_slice %arg3[%dma_start3A_799, %dma_start3A_800] : memref<8192x1024xf32, #tpu.memory_space<hbm>> -> memref<8192x1024xf32, #tpu.memory_space<hbm>>
      tpu.enqueue_indirect_dma source(%dma_start3A_801 : memref<8192x1024xf32, #tpu.memory_space<hbm>>) target(%dma_start3A_797 : memref<16x1024xf32, #tpu.memory_space<vmem>>) offsets(%dma_start3A_798 : memref<16xi32, #tpu.memory_space<vmem>>) semaphore(%arg9 : memref<!tpu.dma_semaphore, #tpu.memory_space<semaphore_mem>>)
      %mul3A_802 = arith.constant 16 : i32
      %mul3A_803 = arith.muli %add3A_757, %mul3A_802 : i32
      %add3A_804 = arith.addi %mul3A_2, %mul3A_803 : i32
      %dma_start3A_805 = arith.constant 4 : i32
      %dma_start3A_806 = arith.constant 0 : i32
      %dma_start3A_807 = arith.constant 0 : i32
      %dma_start3A_808 = tpu.memref_slice %arg6[%dma_start3A_805, %dma_start3A_806, %dma_start3A_807] : memref<6x16x1024xf32, #tpu.memory_space<vmem>> -> memref<1x16x1024xf32, #tpu.memory_space<vmem>>
      %dma_start3A_809 = tpu.memref_squeeze %dma_start3A_808 : memref<1x16x1024xf32, #tpu.memory_space<vmem>> -> memref<16x1024xf32, #tpu.memory_space<vmem>>
      %dma_start3A_810 = arith.constant 0 : i32
      %dma_start3A_811 = tpu.memref_slice %arg4[%add3A_804, %dma_start3A_810] : memref<32768x1024xf32, #tpu.memory_space<hbm>> -> memref<16x1024xf32, #tpu.memory_space<hbm>>
      %dma_start3A_812 = arith.constant 0 : i32
      %dma_start3A_813 = tpu.memref_slice %arg4[%add3A_804, %dma_start3A_812] : memref<32768x1024xf32, #tpu.memory_space<hbm>> -> memref<16x1024xf32, #tpu.memory_space<hbm>>
      %dma_start3A_814 = arith.constant 0 : i32
      %dma_start3A_815 = arith.constant 0 : i32
      %dma_start3A_816 = tpu.memref_slice %arg6[%dma_start3A_805, %dma_start3A_814, %dma_start3A_815] : memref<6x16x1024xf32, #tpu.memory_space<vmem>> -> memref<1x16x1024xf32, #tpu.memory_space<vmem>>
      %dma_start3A_817 = tpu.memref_squeeze %dma_start3A_816 : memref<1x16x1024xf32, #tpu.memory_space<vmem>> -> memref<16x1024xf32, #tpu.memory_space<vmem>>
      tpu.enqueue_dma source(%dma_start3A_817 : memref<16x1024xf32, #tpu.memory_space<vmem>>) target(%dma_start3A_813 : memref<16x1024xf32, #tpu.memory_space<hbm>>) target_semaphore(%arg17 : memref<!tpu.dma_semaphore, #tpu.memory_space<semaphore_mem>>)
      %add3A_818 = arith.constant 5 : i32
      %add3A_819 = arith.addi %mul3A_508, %add3A_818 : i32
      %mul3A_820 = arith.constant 16 : i32
      %mul3A_821 = arith.muli %add3A_819, %mul3A_820 : i32
      %dma_wait3A_822 = arith.constant 5 : i32
      %dma_wait3A_823 = arith.constant 0 : i32
      %dma_wait3A_824 = arith.constant 0 : i32
      %dma_wait3A_825 = tpu.memref_slice %arg6[%dma_wait3A_822, %dma_wait3A_823, %dma_wait3A_824] : memref<6x16x1024xf32, #tpu.memory_space<vmem>> -> memref<1x16x1024xf32, #tpu.memory_space<vmem>>
      %dma_wait3A_826 = tpu.memref_squeeze %dma_wait3A_825 : memref<1x16x1024xf32, #tpu.memory_space<vmem>> -> memref<16x1024xf32, #tpu.memory_space<vmem>>
      %dma_wait3A_827 = tpu.memref_slice %arg5[%mul3A_821] : memref<1024xi32, #tpu.memory_space<vmem>> -> memref<16xi32, #tpu.memory_space<vmem>>
      %dma_wait3A_828 = arith.constant 0 : i32
      %dma_wait3A_829 = arith.constant 0 : i32
      %dma_wait3A_830 = tpu.memref_slice %arg3[%dma_wait3A_828, %dma_wait3A_829] : memref<8192x1024xf32, #tpu.memory_space<hbm>> -> memref<8192x1024xf32, #tpu.memory_space<hbm>>
      tpu.wait_indirect_dma semaphore(%arg12 : memref<!tpu.dma_semaphore, #tpu.memory_space<semaphore_mem>>) src(%dma_wait3A_830 : memref<8192x1024xf32, #tpu.memory_space<hbm>>) dst(%dma_wait3A_826 : memref<16x1024xf32, #tpu.memory_space<vmem>>)
      %add3A_831 = arith.constant 4 : i32
      %add3A_832 = arith.addi %add3A_819, %add3A_831 : i32
      %sub3A_833 = arith.constant 6 : i32
      %sub3A_834 = arith.subi %add3A_832, %sub3A_833 : i32
      %mul3A_835 = arith.constant 16 : i32
      %mul3A_836 = arith.muli %sub3A_834, %mul3A_835 : i32
      %add3A_837 = arith.addi %mul3A_2, %mul3A_836 : i32
      %dma_wait3A_838 = arith.constant 3 : i32
      %dma_wait3A_839 = arith.constant 0 : i32
      %dma_wait3A_840 = arith.constant 0 : i32
      %dma_wait3A_841 = tpu.memref_slice %arg6[%dma_wait3A_838, %dma_wait3A_839, %dma_wait3A_840] : memref<6x16x1024xf32, #tpu.memory_space<vmem>> -> memref<1x16x1024xf32, #tpu.memory_space<vmem>>
      %dma_wait3A_842 = tpu.memref_squeeze %dma_wait3A_841 : memref<1x16x1024xf32, #tpu.memory_space<vmem>> -> memref<16x1024xf32, #tpu.memory_space<vmem>>
      %dma_wait3A_843 = arith.constant 0 : i32
      %dma_wait3A_844 = tpu.memref_slice %arg4[%add3A_837, %dma_wait3A_843] : memref<32768x1024xf32, #tpu.memory_space<hbm>> -> memref<16x1024xf32, #tpu.memory_space<hbm>>
      %dma_wait3A_845 = arith.constant 0 : i32
      %dma_wait3A_846 = tpu.memref_slice %arg4[%add3A_837, %dma_wait3A_845] : memref<32768x1024xf32, #tpu.memory_space<hbm>> -> memref<16x1024xf32, #tpu.memory_space<hbm>>
      %dma_wait3A_847 = arith.constant 0 : i32
      %dma_wait3A_848 = arith.constant 0 : i32
      %dma_wait3A_849 = tpu.memref_slice %arg6[%dma_wait3A_838, %dma_wait3A_847, %dma_wait3A_848] : memref<6x16x1024xf32, #tpu.memory_space<vmem>> -> memref<1x16x1024xf32, #tpu.memory_space<vmem>>
      %dma_wait3A_850 = tpu.memref_squeeze %dma_wait3A_849 : memref<1x16x1024xf32, #tpu.memory_space<vmem>> -> memref<16x1024xf32, #tpu.memory_space<vmem>>
      tpu.wait_dma2 semaphore(%arg16 : memref<!tpu.dma_semaphore, #tpu.memory_space<semaphore_mem>>) src(%dma_wait3A_850 : memref<16x1024xf32, #tpu.memory_space<vmem>>) dst(%dma_wait3A_846 : memref<16x1024xf32, #tpu.memory_space<hbm>>)
      %add3A_851 = arith.constant 4 : i32
      %add3A_852 = arith.addi %add3A_819, %add3A_851 : i32
      %mul3A_853 = arith.constant 16 : i32
      %mul3A_854 = arith.muli %add3A_852, %mul3A_853 : i32
      %dma_start3A_855 = arith.constant 3 : i32
      %dma_start3A_856 = arith.constant 0 : i32
      %dma_start3A_857 = arith.constant 0 : i32
      %dma_start3A_858 = tpu.memref_slice %arg6[%dma_start3A_855, %dma_start3A_856, %dma_start3A_857] : memref<6x16x1024xf32, #tpu.memory_space<vmem>> -> memref<1x16x1024xf32, #tpu.memory_space<vmem>>
      %dma_start3A_859 = tpu.memref_squeeze %dma_start3A_858 : memref<1x16x1024xf32, #tpu.memory_space<vmem>> -> memref<16x1024xf32, #tpu.memory_space<vmem>>
      %dma_start3A_860 = tpu.memref_slice %arg5[%mul3A_854] : memref<1024xi32, #tpu.memory_space<vmem>> -> memref<16xi32, #tpu.memory_space<vmem>>
      %dma_start3A_861 = arith.constant 0 : i32
      %dma_start3A_862 = arith.constant 0 : i32
      %dma_start3A_863 = tpu.memref_slice %arg3[%dma_start3A_861, %dma_start3A_862] : memref<8192x1024xf32, #tpu.memory_space<hbm>> -> memref<8192x1024xf32, #tpu.memory_space<hbm>>
      tpu.enqueue_indirect_dma source(%dma_start3A_863 : memref<8192x1024xf32, #tpu.memory_space<hbm>>) target(%dma_start3A_859 : memref<16x1024xf32, #tpu.memory_space<vmem>>) offsets(%dma_start3A_860 : memref<16xi32, #tpu.memory_space<vmem>>) semaphore(%arg10 : memref<!tpu.dma_semaphore, #tpu.memory_space<semaphore_mem>>)
      %mul3A_864 = arith.constant 16 : i32
      %mul3A_865 = arith.muli %add3A_819, %mul3A_864 : i32
      %add3A_866 = arith.addi %mul3A_2, %mul3A_865 : i32
      %dma_start3A_867 = arith.constant 5 : i32
      %dma_start3A_868 = arith.constant 0 : i32
      %dma_start3A_869 = arith.constant 0 : i32
      %dma_start3A_870 = tpu.memref_slice %arg6[%dma_start3A_867, %dma_start3A_868, %dma_start3A_869] : memref<6x16x1024xf32, #tpu.memory_space<vmem>> -> memref<1x16x1024xf32, #tpu.memory_space<vmem>>
      %dma_start3A_871 = tpu.memref_squeeze %dma_start3A_870 : memref<1x16x1024xf32, #tpu.memory_space<vmem>> -> memref<16x1024xf32, #tpu.memory_space<vmem>>
      %dma_start3A_872 = arith.constant 0 : i32
      %dma_start3A_873 = tpu.memref_slice %arg4[%add3A_866, %dma_start3A_872] : memref<32768x1024xf32, #tpu.memory_space<hbm>> -> memref<16x1024xf32, #tpu.memory_space<hbm>>
      %dma_start3A_874 = arith.constant 0 : i32
      %dma_start3A_875 = tpu.memref_slice %arg4[%add3A_866, %dma_start3A_874] : memref<32768x1024xf32, #tpu.memory_space<hbm>> -> memref<16x1024xf32, #tpu.memory_space<hbm>>
      %dma_start3A_876 = arith.constant 0 : i32
      %dma_start3A_877 = arith.constant 0 : i32
      %dma_start3A_878 = tpu.memref_slice %arg6[%dma_start3A_867, %dma_start3A_876, %dma_start3A_877] : memref<6x16x1024xf32, #tpu.memory_space<vmem>> -> memref<1x16x1024xf32, #tpu.memory_space<vmem>>
      %dma_start3A_879 = tpu.memref_squeeze %dma_start3A_878 : memref<1x16x1024xf32, #tpu.memory_space<vmem>> -> memref<16x1024xf32, #tpu.memory_space<vmem>>
      tpu.enqueue_dma source(%dma_start3A_879 : memref<16x1024xf32, #tpu.memory_space<vmem>>) target(%dma_start3A_875 : memref<16x1024xf32, #tpu.memory_space<hbm>>) target_semaphore(%arg18 : memref<!tpu.dma_semaphore, #tpu.memory_space<semaphore_mem>>)
    }
    %scan3A_315 = arith.constant 9 : i32
    %dma_wait3A_316 = arith.constant 0 : i32
    %dma_wait3A_317 = arith.constant 0 : i32
    %dma_wait3A_318 = arith.constant 0 : i32
    %dma_wait3A_319 = tpu.memref_slice %arg6[%dma_wait3A_316, %dma_wait3A_317, %dma_wait3A_318] : memref<6x16x1024xf32, #tpu.memory_space<vmem>> -> memref<1x16x1024xf32, #tpu.memory_space<vmem>>
    %dma_wait3A_320 = tpu.memref_squeeze %dma_wait3A_319 : memref<1x16x1024xf32, #tpu.memory_space<vmem>> -> memref<16x1024xf32, #tpu.memory_space<vmem>>
    %dma_wait3A_321 = arith.constant 960 : i32
    %dma_wait3A_322 = tpu.memref_slice %arg5[%dma_wait3A_321] : memref<1024xi32, #tpu.memory_space<vmem>> -> memref<16xi32, #tpu.memory_space<vmem>>
    %dma_wait3A_323 = arith.constant 0 : i32
    %dma_wait3A_324 = arith.constant 0 : i32
    %dma_wait3A_325 = tpu.memref_slice %arg3[%dma_wait3A_323, %dma_wait3A_324] : memref<8192x1024xf32, #tpu.memory_space<hbm>> -> memref<8192x1024xf32, #tpu.memory_space<hbm>>
    tpu.wait_indirect_dma semaphore(%arg7 : memref<!tpu.dma_semaphore, #tpu.memory_space<semaphore_mem>>) src(%dma_wait3A_325 : memref<8192x1024xf32, #tpu.memory_space<hbm>>) dst(%dma_wait3A_320 : memref<16x1024xf32, #tpu.memory_space<vmem>>)
    %add3A_326 = arith.constant 960 : i32
    %add3A_327 = arith.addi %mul3A_2, %add3A_326 : i32
    %dma_start3A_328 = arith.constant 0 : i32
    %dma_start3A_329 = arith.constant 0 : i32
    %dma_start3A_330 = arith.constant 0 : i32
    %dma_start3A_331 = tpu.memref_slice %arg6[%dma_start3A_328, %dma_start3A_329, %dma_start3A_330] : memref<6x16x1024xf32, #tpu.memory_space<vmem>> -> memref<1x16x1024xf32, #tpu.memory_space<vmem>>
    %dma_start3A_332 = tpu.memref_squeeze %dma_start3A_331 : memref<1x16x1024xf32, #tpu.memory_space<vmem>> -> memref<16x1024xf32, #tpu.memory_space<vmem>>
    %dma_start3A_333 = arith.constant 0 : i32
    %dma_start3A_334 = tpu.memref_slice %arg4[%add3A_327, %dma_start3A_333] : memref<32768x1024xf32, #tpu.memory_space<hbm>> -> memref<16x1024xf32, #tpu.memory_space<hbm>>
    %dma_start3A_335 = arith.constant 0 : i32
    %dma_start3A_336 = tpu.memref_slice %arg4[%add3A_327, %dma_start3A_335] : memref<32768x1024xf32, #tpu.memory_space<hbm>> -> memref<16x1024xf32, #tpu.memory_space<hbm>>
    %dma_start3A_337 = arith.constant 0 : i32
    %dma_start3A_338 = arith.constant 0 : i32
    %dma_start3A_339 = tpu.memref_slice %arg6[%dma_start3A_328, %dma_start3A_337, %dma_start3A_338] : memref<6x16x1024xf32, #tpu.memory_space<vmem>> -> memref<1x16x1024xf32, #tpu.memory_space<vmem>>
    %dma_start3A_340 = tpu.memref_squeeze %dma_start3A_339 : memref<1x16x1024xf32, #tpu.memory_space<vmem>> -> memref<16x1024xf32, #tpu.memory_space<vmem>>
    tpu.enqueue_dma source(%dma_start3A_340 : memref<16x1024xf32, #tpu.memory_space<vmem>>) target(%dma_start3A_336 : memref<16x1024xf32, #tpu.memory_space<hbm>>) target_semaphore(%arg13 : memref<!tpu.dma_semaphore, #tpu.memory_space<semaphore_mem>>)
    %dma_wait3A_341 = arith.constant 1 : i32
    %dma_wait3A_342 = arith.constant 0 : i32
    %dma_wait3A_343 = arith.constant 0 : i32
    %dma_wait3A_344 = tpu.memref_slice %arg6[%dma_wait3A_341, %dma_wait3A_342, %dma_wait3A_343] : memref<6x16x1024xf32, #tpu.memory_space<vmem>> -> memref<1x16x1024xf32, #tpu.memory_space<vmem>>
    %dma_wait3A_345 = tpu.memref_squeeze %dma_wait3A_344 : memref<1x16x1024xf32, #tpu.memory_space<vmem>> -> memref<16x1024xf32, #tpu.memory_space<vmem>>
    %dma_wait3A_346 = arith.constant 976 : i32
    %dma_wait3A_347 = tpu.memref_slice %arg5[%dma_wait3A_346] : memref<1024xi32, #tpu.memory_space<vmem>> -> memref<16xi32, #tpu.memory_space<vmem>>
    %dma_wait3A_348 = arith.constant 0 : i32
    %dma_wait3A_349 = arith.constant 0 : i32
    %dma_wait3A_350 = tpu.memref_slice %arg3[%dma_wait3A_348, %dma_wait3A_349] : memref<8192x1024xf32, #tpu.memory_space<hbm>> -> memref<8192x1024xf32, #tpu.memory_space<hbm>>
    tpu.wait_indirect_dma semaphore(%arg8 : memref<!tpu.dma_semaphore, #tpu.memory_space<semaphore_mem>>) src(%dma_wait3A_350 : memref<8192x1024xf32, #tpu.memory_space<hbm>>) dst(%dma_wait3A_345 : memref<16x1024xf32, #tpu.memory_space<vmem>>)
    %add3A_351 = arith.constant 976 : i32
    %add3A_352 = arith.addi %mul3A_2, %add3A_351 : i32
    %dma_start3A_353 = arith.constant 1 : i32
    %dma_start3A_354 = arith.constant 0 : i32
    %dma_start3A_355 = arith.constant 0 : i32
    %dma_start3A_356 = tpu.memref_slice %arg6[%dma_start3A_353, %dma_start3A_354, %dma_start3A_355] : memref<6x16x1024xf32, #tpu.memory_space<vmem>> -> memref<1x16x1024xf32, #tpu.memory_space<vmem>>
    %dma_start3A_357 = tpu.memref_squeeze %dma_start3A_356 : memref<1x16x1024xf32, #tpu.memory_space<vmem>> -> memref<16x1024xf32, #tpu.memory_space<vmem>>
    %dma_start3A_358 = arith.constant 0 : i32
    %dma_start3A_359 = tpu.memref_slice %arg4[%add3A_352, %dma_start3A_358] : memref<32768x1024xf32, #tpu.memory_space<hbm>> -> memref<16x1024xf32, #tpu.memory_space<hbm>>
    %dma_start3A_360 = arith.constant 0 : i32
    %dma_start3A_361 = tpu.memref_slice %arg4[%add3A_352, %dma_start3A_360] : memref<32768x1024xf32, #tpu.memory_space<hbm>> -> memref<16x1024xf32, #tpu.memory_space<hbm>>
    %dma_start3A_362 = arith.constant 0 : i32
    %dma_start3A_363 = arith.constant 0 : i32
    %dma_start3A_364 = tpu.memref_slice %arg6[%dma_start3A_353, %dma_start3A_362, %dma_start3A_363] : memref<6x16x1024xf32, #tpu.memory_space<vmem>> -> memref<1x16x1024xf32, #tpu.memory_space<vmem>>
    %dma_start3A_365 = tpu.memref_squeeze %dma_start3A_364 : memref<1x16x1024xf32, #tpu.memory_space<vmem>> -> memref<16x1024xf32, #tpu.memory_space<vmem>>
    tpu.enqueue_dma source(%dma_start3A_365 : memref<16x1024xf32, #tpu.memory_space<vmem>>) target(%dma_start3A_361 : memref<16x1024xf32, #tpu.memory_space<hbm>>) target_semaphore(%arg14 : memref<!tpu.dma_semaphore, #tpu.memory_space<semaphore_mem>>)
    %dma_wait3A_366 = arith.constant 2 : i32
    %dma_wait3A_367 = arith.constant 0 : i32
    %dma_wait3A_368 = arith.constant 0 : i32
    %dma_wait3A_369 = tpu.memref_slice %arg6[%dma_wait3A_366, %dma_wait3A_367, %dma_wait3A_368] : memref<6x16x1024xf32, #tpu.memory_space<vmem>> -> memref<1x16x1024xf32, #tpu.memory_space<vmem>>
    %dma_wait3A_370 = tpu.memref_squeeze %dma_wait3A_369 : memref<1x16x1024xf32, #tpu.memory_space<vmem>> -> memref<16x1024xf32, #tpu.memory_space<vmem>>
    %dma_wait3A_371 = arith.constant 992 : i32
    %dma_wait3A_372 = tpu.memref_slice %arg5[%dma_wait3A_371] : memref<1024xi32, #tpu.memory_space<vmem>> -> memref<16xi32, #tpu.memory_space<vmem>>
    %dma_wait3A_373 = arith.constant 0 : i32
    %dma_wait3A_374 = arith.constant 0 : i32
    %dma_wait3A_375 = tpu.memref_slice %arg3[%dma_wait3A_373, %dma_wait3A_374] : memref<8192x1024xf32, #tpu.memory_space<hbm>> -> memref<8192x1024xf32, #tpu.memory_space<hbm>>
    tpu.wait_indirect_dma semaphore(%arg9 : memref<!tpu.dma_semaphore, #tpu.memory_space<semaphore_mem>>) src(%dma_wait3A_375 : memref<8192x1024xf32, #tpu.memory_space<hbm>>) dst(%dma_wait3A_370 : memref<16x1024xf32, #tpu.memory_space<vmem>>)
    %add3A_376 = arith.constant 992 : i32
    %add3A_377 = arith.addi %mul3A_2, %add3A_376 : i32
    %dma_start3A_378 = arith.constant 2 : i32
    %dma_start3A_379 = arith.constant 0 : i32
    %dma_start3A_380 = arith.constant 0 : i32
    %dma_start3A_381 = tpu.memref_slice %arg6[%dma_start3A_378, %dma_start3A_379, %dma_start3A_380] : memref<6x16x1024xf32, #tpu.memory_space<vmem>> -> memref<1x16x1024xf32, #tpu.memory_space<vmem>>
    %dma_start3A_382 = tpu.memref_squeeze %dma_start3A_381 : memref<1x16x1024xf32, #tpu.memory_space<vmem>> -> memref<16x1024xf32, #tpu.memory_space<vmem>>
    %dma_start3A_383 = arith.constant 0 : i32
    %dma_start3A_384 = tpu.memref_slice %arg4[%add3A_377, %dma_start3A_383] : memref<32768x1024xf32, #tpu.memory_space<hbm>> -> memref<16x1024xf32, #tpu.memory_space<hbm>>
    %dma_start3A_385 = arith.constant 0 : i32
    %dma_start3A_386 = tpu.memref_slice %arg4[%add3A_377, %dma_start3A_385] : memref<32768x1024xf32, #tpu.memory_space<hbm>> -> memref<16x1024xf32, #tpu.memory_space<hbm>>
    %dma_start3A_387 = arith.constant 0 : i32
    %dma_start3A_388 = arith.constant 0 : i32
    %dma_start3A_389 = tpu.memref_slice %arg6[%dma_start3A_378, %dma_start3A_387, %dma_start3A_388] : memref<6x16x1024xf32, #tpu.memory_space<vmem>> -> memref<1x16x1024xf32, #tpu.memory_space<vmem>>
    %dma_start3A_390 = tpu.memref_squeeze %dma_start3A_389 : memref<1x16x1024xf32, #tpu.memory_space<vmem>> -> memref<16x1024xf32, #tpu.memory_space<vmem>>
    tpu.enqueue_dma source(%dma_start3A_390 : memref<16x1024xf32, #tpu.memory_space<vmem>>) target(%dma_start3A_386 : memref<16x1024xf32, #tpu.memory_space<hbm>>) target_semaphore(%arg15 : memref<!tpu.dma_semaphore, #tpu.memory_space<semaphore_mem>>)
    %dma_wait3A_391 = arith.constant 3 : i32
    %dma_wait3A_392 = arith.constant 0 : i32
    %dma_wait3A_393 = arith.constant 0 : i32
    %dma_wait3A_394 = tpu.memref_slice %arg6[%dma_wait3A_391, %dma_wait3A_392, %dma_wait3A_393] : memref<6x16x1024xf32, #tpu.memory_space<vmem>> -> memref<1x16x1024xf32, #tpu.memory_space<vmem>>
    %dma_wait3A_395 = tpu.memref_squeeze %dma_wait3A_394 : memref<1x16x1024xf32, #tpu.memory_space<vmem>> -> memref<16x1024xf32, #tpu.memory_space<vmem>>
    %dma_wait3A_396 = arith.constant 1008 : i32
    %dma_wait3A_397 = tpu.memref_slice %arg5[%dma_wait3A_396] : memref<1024xi32, #tpu.memory_space<vmem>> -> memref<16xi32, #tpu.memory_space<vmem>>
    %dma_wait3A_398 = arith.constant 0 : i32
    %dma_wait3A_399 = arith.constant 0 : i32
    %dma_wait3A_400 = tpu.memref_slice %arg3[%dma_wait3A_398, %dma_wait3A_399] : memref<8192x1024xf32, #tpu.memory_space<hbm>> -> memref<8192x1024xf32, #tpu.memory_space<hbm>>
    tpu.wait_indirect_dma semaphore(%arg10 : memref<!tpu.dma_semaphore, #tpu.memory_space<semaphore_mem>>) src(%dma_wait3A_400 : memref<8192x1024xf32, #tpu.memory_space<hbm>>) dst(%dma_wait3A_395 : memref<16x1024xf32, #tpu.memory_space<vmem>>)
    %add3A_401 = arith.constant 1008 : i32
    %add3A_402 = arith.addi %mul3A_2, %add3A_401 : i32
    %dma_start3A_403 = arith.constant 3 : i32
    %dma_start3A_404 = arith.constant 0 : i32
    %dma_start3A_405 = arith.constant 0 : i32
    %dma_start3A_406 = tpu.memref_slice %arg6[%dma_start3A_403, %dma_start3A_404, %dma_start3A_405] : memref<6x16x1024xf32, #tpu.memory_space<vmem>> -> memref<1x16x1024xf32, #tpu.memory_space<vmem>>
    %dma_start3A_407 = tpu.memref_squeeze %dma_start3A_406 : memref<1x16x1024xf32, #tpu.memory_space<vmem>> -> memref<16x1024xf32, #tpu.memory_space<vmem>>
    %dma_start3A_408 = arith.constant 0 : i32
    %dma_start3A_409 = tpu.memref_slice %arg4[%add3A_402, %dma_start3A_408] : memref<32768x1024xf32, #tpu.memory_space<hbm>> -> memref<16x1024xf32, #tpu.memory_space<hbm>>
    %dma_start3A_410 = arith.constant 0 : i32
    %dma_start3A_411 = tpu.memref_slice %arg4[%add3A_402, %dma_start3A_410] : memref<32768x1024xf32, #tpu.memory_space<hbm>> -> memref<16x1024xf32, #tpu.memory_space<hbm>>
    %dma_start3A_412 = arith.constant 0 : i32
    %dma_start3A_413 = arith.constant 0 : i32
    %dma_start3A_414 = tpu.memref_slice %arg6[%dma_start3A_403, %dma_start3A_412, %dma_start3A_413] : memref<6x16x1024xf32, #tpu.memory_space<vmem>> -> memref<1x16x1024xf32, #tpu.memory_space<vmem>>
    %dma_start3A_415 = tpu.memref_squeeze %dma_start3A_414 : memref<1x16x1024xf32, #tpu.memory_space<vmem>> -> memref<16x1024xf32, #tpu.memory_space<vmem>>
    tpu.enqueue_dma source(%dma_start3A_415 : memref<16x1024xf32, #tpu.memory_space<vmem>>) target(%dma_start3A_411 : memref<16x1024xf32, #tpu.memory_space<hbm>>) target_semaphore(%arg16 : memref<!tpu.dma_semaphore, #tpu.memory_space<semaphore_mem>>)
    %add3A_416 = arith.constant 928 : i32
    %add3A_417 = arith.addi %mul3A_2, %add3A_416 : i32
    %dma_wait3A_418 = arith.constant 4 : i32
    %dma_wait3A_419 = arith.constant 0 : i32
    %dma_wait3A_420 = arith.constant 0 : i32
    %dma_wait3A_421 = tpu.memref_slice %arg6[%dma_wait3A_418, %dma_wait3A_419, %dma_wait3A_420] : memref<6x16x1024xf32, #tpu.memory_space<vmem>> -> memref<1x16x1024xf32, #tpu.memory_space<vmem>>
    %dma_wait3A_422 = tpu.memref_squeeze %dma_wait3A_421 : memref<1x16x1024xf32, #tpu.memory_space<vmem>> -> memref<16x1024xf32, #tpu.memory_space<vmem>>
    %dma_wait3A_423 = arith.constant 0 : i32
    %dma_wait3A_424 = tpu.memref_slice %arg4[%add3A_417, %dma_wait3A_423] : memref<32768x1024xf32, #tpu.memory_space<hbm>> -> memref<16x1024xf32, #tpu.memory_space<hbm>>
    %dma_wait3A_425 = arith.constant 0 : i32
    %dma_wait3A_426 = tpu.memref_slice %arg4[%add3A_417, %dma_wait3A_425] : memref<32768x1024xf32, #tpu.memory_space<hbm>> -> memref<16x1024xf32, #tpu.memory_space<hbm>>
    %dma_wait3A_427 = arith.constant 0 : i32
    %dma_wait3A_428 = arith.constant 0 : i32
    %dma_wait3A_429 = tpu.memref_slice %arg6[%dma_wait3A_418, %dma_wait3A_427, %dma_wait3A_428] : memref<6x16x1024xf32, #tpu.memory_space<vmem>> -> memref<1x16x1024xf32, #tpu.memory_space<vmem>>
    %dma_wait3A_430 = tpu.memref_squeeze %dma_wait3A_429 : memref<1x16x1024xf32, #tpu.memory_space<vmem>> -> memref<16x1024xf32, #tpu.memory_space<vmem>>
    tpu.wait_dma2 semaphore(%arg17 : memref<!tpu.dma_semaphore, #tpu.memory_space<semaphore_mem>>) src(%dma_wait3A_430 : memref<16x1024xf32, #tpu.memory_space<vmem>>) dst(%dma_wait3A_426 : memref<16x1024xf32, #tpu.memory_space<hbm>>)
    %add3A_431 = arith.constant 944 : i32
    %add3A_432 = arith.addi %mul3A_2, %add3A_431 : i32
    %dma_wait3A_433 = arith.constant 5 : i32
    %dma_wait3A_434 = arith.constant 0 : i32
    %dma_wait3A_435 = arith.constant 0 : i32
    %dma_wait3A_436 = tpu.memref_slice %arg6[%dma_wait3A_433, %dma_wait3A_434, %dma_wait3A_435] : memref<6x16x1024xf32, #tpu.memory_space<vmem>> -> memref<1x16x1024xf32, #tpu.memory_space<vmem>>
    %dma_wait3A_437 = tpu.memref_squeeze %dma_wait3A_436 : memref<1x16x1024xf32, #tpu.memory_space<vmem>> -> memref<16x1024xf32, #tpu.memory_space<vmem>>
    %dma_wait3A_438 = arith.constant 0 : i32
    %dma_wait3A_439 = tpu.memref_slice %arg4[%add3A_432, %dma_wait3A_438] : memref<32768x1024xf32, #tpu.memory_space<hbm>> -> memref<16x1024xf32, #tpu.memory_space<hbm>>
    %dma_wait3A_440 = arith.constant 0 : i32
    %dma_wait3A_441 = tpu.memref_slice %arg4[%add3A_432, %dma_wait3A_440] : memref<32768x1024xf32, #tpu.memory_space<hbm>> -> memref<16x1024xf32, #tpu.memory_space<hbm>>
    %dma_wait3A_442 = arith.constant 0 : i32
    %dma_wait3A_443 = arith.constant 0 : i32
    %dma_wait3A_444 = tpu.memref_slice %arg6[%dma_wait3A_433, %dma_wait3A_442, %dma_wait3A_443] : memref<6x16x1024xf32, #tpu.memory_space<vmem>> -> memref<1x16x1024xf32, #tpu.memory_space<vmem>>
    %dma_wait3A_445 = tpu.memref_squeeze %dma_wait3A_444 : memref<1x16x1024xf32, #tpu.memory_space<vmem>> -> memref<16x1024xf32, #tpu.memory_space<vmem>>
    tpu.wait_dma2 semaphore(%arg18 : memref<!tpu.dma_semaphore, #tpu.memory_space<semaphore_mem>>) src(%dma_wait3A_445 : memref<16x1024xf32, #tpu.memory_space<vmem>>) dst(%dma_wait3A_441 : memref<16x1024xf32, #tpu.memory_space<hbm>>)
    %add3A_446 = arith.constant 960 : i32
    %add3A_447 = arith.addi %mul3A_2, %add3A_446 : i32
    %dma_wait3A_448 = arith.constant 0 : i32
    %dma_wait3A_449 = arith.constant 0 : i32
    %dma_wait3A_450 = arith.constant 0 : i32
    %dma_wait3A_451 = tpu.memref_slice %arg6[%dma_wait3A_448, %dma_wait3A_449, %dma_wait3A_450] : memref<6x16x1024xf32, #tpu.memory_space<vmem>> -> memref<1x16x1024xf32, #tpu.memory_space<vmem>>
    %dma_wait3A_452 = tpu.memref_squeeze %dma_wait3A_451 : memref<1x16x1024xf32, #tpu.memory_space<vmem>> -> memref<16x1024xf32, #tpu.memory_space<vmem>>
    %dma_wait3A_453 = arith.constant 0 : i32
    %dma_wait3A_454 = tpu.memref_slice %arg4[%add3A_447, %dma_wait3A_453] : memref<32768x1024xf32, #tpu.memory_space<hbm>> -> memref<16x1024xf32, #tpu.memory_space<hbm>>
    %dma_wait3A_455 = arith.constant 0 : i32
    %dma_wait3A_456 = tpu.memref_slice %arg4[%add3A_447, %dma_wait3A_455] : memref<32768x1024xf32, #tpu.memory_space<hbm>> -> memref<16x1024xf32, #tpu.memory_space<hbm>>
    %dma_wait3A_457 = arith.constant 0 : i32
    %dma_wait3A_458 = arith.constant 0 : i32
    %dma_wait3A_459 = tpu.memref_slice %arg6[%dma_wait3A_448, %dma_wait3A_457, %dma_wait3A_458] : memref<6x16x1024xf32, #tpu.memory_space<vmem>> -> memref<1x16x1024xf32, #tpu.memory_space<vmem>>
    %dma_wait3A_460 = tpu.memref_squeeze %dma_wait3A_459 : memref<1x16x1024xf32, #tpu.memory_space<vmem>> -> memref<16x1024xf32, #tpu.memory_space<vmem>>
    tpu.wait_dma2 semaphore(%arg13 : memref<!tpu.dma_semaphore, #tpu.memory_space<semaphore_mem>>) src(%dma_wait3A_460 : memref<16x1024xf32, #tpu.memory_space<vmem>>) dst(%dma_wait3A_456 : memref<16x1024xf32, #tpu.memory_space<hbm>>)
    %add3A_461 = arith.constant 976 : i32
    %add3A_462 = arith.addi %mul3A_2, %add3A_461 : i32
    %dma_wait3A_463 = arith.constant 1 : i32
    %dma_wait3A_464 = arith.constant 0 : i32
    %dma_wait3A_465 = arith.constant 0 : i32
    %dma_wait3A_466 = tpu.memref_slice %arg6[%dma_wait3A_463, %dma_wait3A_464, %dma_wait3A_465] : memref<6x16x1024xf32, #tpu.memory_space<vmem>> -> memref<1x16x1024xf32, #tpu.memory_space<vmem>>
    %dma_wait3A_467 = tpu.memref_squeeze %dma_wait3A_466 : memref<1x16x1024xf32, #tpu.memory_space<vmem>> -> memref<16x1024xf32, #tpu.memory_space<vmem>>
    %dma_wait3A_468 = arith.constant 0 : i32
    %dma_wait3A_469 = tpu.memref_slice %arg4[%add3A_462, %dma_wait3A_468] : memref<32768x1024xf32, #tpu.memory_space<hbm>> -> memref<16x1024xf32, #tpu.memory_space<hbm>>
    %dma_wait3A_470 = arith.constant 0 : i32
    %dma_wait3A_471 = tpu.memref_slice %arg4[%add3A_462, %dma_wait3A_470] : memref<32768x1024xf32, #tpu.memory_space<hbm>> -> memref<16x1024xf32, #tpu.memory_space<hbm>>
    %dma_wait3A_472 = arith.constant 0 : i32
    %dma_wait3A_473 = arith.constant 0 : i32
    %dma_wait3A_474 = tpu.memref_slice %arg6[%dma_wait3A_463, %dma_wait3A_472, %dma_wait3A_473] : memref<6x16x1024xf32, #tpu.memory_space<vmem>> -> memref<1x16x1024xf32, #tpu.memory_space<vmem>>
    %dma_wait3A_475 = tpu.memref_squeeze %dma_wait3A_474 : memref<1x16x1024xf32, #tpu.memory_space<vmem>> -> memref<16x1024xf32, #tpu.memory_space<vmem>>
    tpu.wait_dma2 semaphore(%arg14 : memref<!tpu.dma_semaphore, #tpu.memory_space<semaphore_mem>>) src(%dma_wait3A_475 : memref<16x1024xf32, #tpu.memory_space<vmem>>) dst(%dma_wait3A_471 : memref<16x1024xf32, #tpu.memory_space<hbm>>)
    %add3A_476 = arith.constant 992 : i32
    %add3A_477 = arith.addi %mul3A_2, %add3A_476 : i32
    %dma_wait3A_478 = arith.constant 2 : i32
    %dma_wait3A_479 = arith.constant 0 : i32
    %dma_wait3A_480 = arith.constant 0 : i32
    %dma_wait3A_481 = tpu.memref_slice %arg6[%dma_wait3A_478, %dma_wait3A_479, %dma_wait3A_480] : memref<6x16x1024xf32, #tpu.memory_space<vmem>> -> memref<1x16x1024xf32, #tpu.memory_space<vmem>>
    %dma_wait3A_482 = tpu.memref_squeeze %dma_wait3A_481 : memref<1x16x1024xf32, #tpu.memory_space<vmem>> -> memref<16x1024xf32, #tpu.memory_space<vmem>>
    %dma_wait3A_483 = arith.constant 0 : i32
    %dma_wait3A_484 = tpu.memref_slice %arg4[%add3A_477, %dma_wait3A_483] : memref<32768x1024xf32, #tpu.memory_space<hbm>> -> memref<16x1024xf32, #tpu.memory_space<hbm>>
    %dma_wait3A_485 = arith.constant 0 : i32
    %dma_wait3A_486 = tpu.memref_slice %arg4[%add3A_477, %dma_wait3A_485] : memref<32768x1024xf32, #tpu.memory_space<hbm>> -> memref<16x1024xf32, #tpu.memory_space<hbm>>
    %dma_wait3A_487 = arith.constant 0 : i32
    %dma_wait3A_488 = arith.constant 0 : i32
    %dma_wait3A_489 = tpu.memref_slice %arg6[%dma_wait3A_478, %dma_wait3A_487, %dma_wait3A_488] : memref<6x16x1024xf32, #tpu.memory_space<vmem>> -> memref<1x16x1024xf32, #tpu.memory_space<vmem>>
    %dma_wait3A_490 = tpu.memref_squeeze %dma_wait3A_489 : memref<1x16x1024xf32, #tpu.memory_space<vmem>> -> memref<16x1024xf32, #tpu.memory_space<vmem>>
    tpu.wait_dma2 semaphore(%arg15 : memref<!tpu.dma_semaphore, #tpu.memory_space<semaphore_mem>>) src(%dma_wait3A_490 : memref<16x1024xf32, #tpu.memory_space<vmem>>) dst(%dma_wait3A_486 : memref<16x1024xf32, #tpu.memory_space<hbm>>)
    %add3A_491 = arith.constant 1008 : i32
    %add3A_492 = arith.addi %mul3A_2, %add3A_491 : i32
    %dma_wait3A_493 = arith.constant 3 : i32
    %dma_wait3A_494 = arith.constant 0 : i32
    %dma_wait3A_495 = arith.constant 0 : i32
    %dma_wait3A_496 = tpu.memref_slice %arg6[%dma_wait3A_493, %dma_wait3A_494, %dma_wait3A_495] : memref<6x16x1024xf32, #tpu.memory_space<vmem>> -> memref<1x16x1024xf32, #tpu.memory_space<vmem>>
    %dma_wait3A_497 = tpu.memref_squeeze %dma_wait3A_496 : memref<1x16x1024xf32, #tpu.memory_space<vmem>> -> memref<16x1024xf32, #tpu.memory_space<vmem>>
    %dma_wait3A_498 = arith.constant 0 : i32
    %dma_wait3A_499 = tpu.memref_slice %arg4[%add3A_492, %dma_wait3A_498] : memref<32768x1024xf32, #tpu.memory_space<hbm>> -> memref<16x1024xf32, #tpu.memory_space<hbm>>
    %dma_wait3A_500 = arith.constant 0 : i32
    %dma_wait3A_501 = tpu.memref_slice %arg4[%add3A_492, %dma_wait3A_500] : memref<32768x1024xf32, #tpu.memory_space<hbm>> -> memref<16x1024xf32, #tpu.memory_space<hbm>>
    %dma_wait3A_502 = arith.constant 0 : i32
    %dma_wait3A_503 = arith.constant 0 : i32
    %dma_wait3A_504 = tpu.memref_slice %arg6[%dma_wait3A_493, %dma_wait3A_502, %dma_wait3A_503] : memref<6x16x1024xf32, #tpu.memory_space<vmem>> -> memref<1x16x1024xf32, #tpu.memory_space<vmem>>
    %dma_wait3A_505 = tpu.memref_squeeze %dma_wait3A_504 : memref<1x16x1024xf32, #tpu.memory_space<vmem>> -> memref<16x1024xf32, #tpu.memory_space<vmem>>
    tpu.wait_dma2 semaphore(%arg16 : memref<!tpu.dma_semaphore, #tpu.memory_space<semaphore_mem>>) src(%dma_wait3A_505 : memref<16x1024xf32, #tpu.memory_space<vmem>>) dst(%dma_wait3A_501 : memref<16x1024xf32, #tpu.memory_space<hbm>>)
    return
  }
}

</mosaic_0001>

<sc_bundles>
// kernel: kernel.3.cloned.1.call-start
scs
__scs_entry_jumppad:
0x0: {  	(pc) =	sbr.rel $0x88, $3  }
0x1: {  	(tag) =	ssettag $0x0;
	lr =	simm.s32 $0x1  }
0x2: {  	[smem:$0x3F9F] =	sst lr;
	_ =	strace $0xD0000000  }
0x3: {  	_ = 	snop  }
0x4: {  	_ = 	snop  }
0x5: {  	_ = 	snop  }
0x6: {  	_ = 	snop  }
0x7: {  	_ = 	snop  }
__scs_overlays_trampoline_lowered:
0x8: {  	[smem:$0x3FAE] =	sst s0  }
0x9: {  	[smem:$0x3FAF] =	sst s1  }
0xa: {  	[smem:$0x3FB0] =	sst s2  }
0xb: {  	[smem:$0x3FB1] =	sst s3  }
0xc: {  	[smem:$0x3FB2] =	sst s4  }
0xd: {  	[smem:$0x3FB3] =	sst s5  }
0xe: {  	[smem:$0x3FB4] =	sst s6  }
0xf: {  	[smem:$0x3FB5] =	sst s7  }
0x10: {  	[smem:$0x3FB6] =	sst s8  }
0x11: {  	[smem:$0x3FB7] =	sst s9;
	s0 =	simm.s32 @!p0 $0x0  }
0x12: {  	s1 =	sld [smem:$0x3F9D];
	s0 =	simm.s32 @p0 $0x1  }
0x13: {  	[smem:$0x3FB8] =	sst s0;
	s0 =	simm.s32 @!p1 $0x0  }
0x14: {  	s2 =	sld [smem:$0x3F9C];
	s0 =	simm.s32 @p1 $0x1  }
0x15: {  	[smem:$0x3FB9] =	sst s0;
	s0 =	simm.s32 @!p2 $0x0  }
0x16: {  	s3 =	sld [smem:$0x3FDB];
	s0 =	simm.s32 @p2 $0x1  }
0x17: {  	s4 =	simm.s32 $0x1BF5;
	[smem:$0x3FBB] =	sst s0  }
0x18: {  	s0 =	sld [smem:$0x3F9E];
	_ =	swait.ge [sflag:s4], $0x0  }
0x19: {  	s7 =	sld [smem:$0x3F9F]  }
0x1a: {  	s8 =	sadd.s32 $0xFFFFE003, lr  }
0x1b: {  	s9 =	sadd.s32 $0xFFFFFEF7, lr;
	s5 =	simm.s32 $0xFFFFFFFF;
	p2 =	slt.u32 s8, $0xFFFFF086  }
0x1c: {  	p1 =	slt.u32 s9, $0xF7A;
	s5 =	simm.s32 @!p2 $0x0  }
0x1d: {  	s5 =	simm.s32 @p1 $0x1;
	p0 =	seq.s32 s7, s2  }
0x1e: {  	s7 =	smul.u32 @!p0 $0xF7A, s2;
	p2 =	seq.s32 @!p0 s5, $0x0  }
0x1f: {  	s9 =	smul.u32 $0xF7A, s1;
	s8 =	simm.s32 @!p0 $0x1BF5;
	p2 =	por !p2, p0  }
0x20: {  	[sflag:s8] =	ssyncset.s32 @!p0 $0xFFFFF086;
	s6 =	sadd.s32 @!p0 s3, s7;
	s7 =	simm.s32 @!p0 $0x108  }
0x21: {  	s3 =	sadd.s32 s3, s9;
	s6 =	sadd.s32 @!p0 $0x88, s6;
	s7 =	simm.s32 @p2 $0x1082  }
0x22: {  	[simem:s7], [sflag:s8] =	dma.local @!p0 [hbm:s6], $0xF7A  }
0x23: {  	s9 =	sor.u32 $0xD0000000, s2;
	s6 =	simm.s32 $0x108;
	_ =	swait.ge @!p0 [sflag:s8], $0x0  }
0x24: {  	s3 =	sadd.s32 $0x88, s3;
	s6 =	simm.s32 @!p1 $0x1082;
	[sflag:s4] =	ssyncset.s32 $0xFFFFF086  }
0x25: {  	[simem:s6], [sflag:s4] =	dma.local [hbm:s3], $0xF7A  }
0x26: {  	[smem:$0x3F9F] =	sst s1;
	(tag) =	ssettag s2;
	_ =	strace s9  }
0x27: {  	s1 =	sld [smem:$0x3FAF]  }
0x28: {  	s2 =	sld [smem:$0x3FB0]  }
0x29: {  	s4 =	sld [smem:$0x3FB2]  }
0x2a: {  	p0 =	seq.s32 s5, $0x0;
	s5 =	sld [smem:$0x3FB3]  }
0x2b: {  	s6 =	sld [smem:$0x3FB4]  }
0x2c: {  	s7 =	sld [smem:$0x3FB5]  }
0x2d: {  	s3 =	simm.s32 $0x108;
	s8 =	sld [smem:$0x3FB6]  }
0x2e: {  	s3 =	simm.s32 @!p0 $0x1082;
	s9 =	sld [smem:$0x3FB7]  }
0x2f: {  	lr =	sadd.s32 s0, s3;
	s0 =	sld [smem:$0x3FAE]  }
0x30: {  	s3 =	sld [smem:$0x3FB1]  }
0x31: {  	[smem:$0x3FBA] =	sst s10  }
0x32: {  	s10 =	sld [smem:$0x3FB8];
	_ =	sdelay $0x3  }
0x33: {  	p0 =	seq.s32 s10, $0x1;
	s10 =	sld [smem:$0x3FBA];
	_ =	sdelay $0x3  }
0x34: {  	[smem:$0x3FBA] =	sst s10  }
0x35: {  	s10 =	sld [smem:$0x3FB9];
	_ =	sdelay $0x3  }
0x36: {  	p1 =	seq.s32 s10, $0x1;
	s10 =	sld [smem:$0x3FBA];
	_ =	sdelay $0x3  }
0x37: {  	[smem:$0x3FBA] =	sst s10  }
0x38: {  	s10 =	sld [smem:$0x3FBB]  }
0x39: {  	_ = 	snop;
	(pc) =	sbr.ind lr, $3  }
0x3a: {  	_ = 	snop  }
0x3b: {  	_ = 	snop  }
0x3c: {  	p2 =	seq.s32 s10, $0x1;
	s10 =	sld [smem:$0x3FBA]  }
0x3d: {  	_ =	shalt  }
0x3e: {  	_ =	shalt  }
0x3f: {  	_ =	shalt  }
0x40: {  	_ =	shalt  }
0x41: {  	_ =	shalt  }
0x42: {  	_ =	shalt  }
0x43: {  	_ =	shalt  }
0x44: {  	_ =	shalt  }
0x45: {  	_ =	shalt  }
0x46: {  	_ =	shalt  }
0x47: {  	_ =	shalt  }
0x48: {  	_ =	shalt  }
0x49: {  	_ =	shalt  }
0x4a: {  	_ =	shalt  }
0x4b: {  	_ =	shalt  }
0x4c: {  	_ =	shalt  }
0x4d: {  	_ =	shalt  }
0x4e: {  	_ =	shalt  }
0x4f: {  	_ =	shalt  }
0x50: {  	_ =	shalt  }
0x51: {  	_ =	shalt  }
0x52: {  	_ =	shalt  }
0x53: {  	_ =	shalt  }
0x54: {  	_ =	shalt  }
0x55: {  	_ =	shalt  }
0x56: {  	_ =	shalt  }
0x57: {  	_ =	shalt  }
0x58: {  	_ =	shalt  }
0x59: {  	_ =	shalt  }
0x5a: {  	_ =	shalt  }
0x5b: {  	_ =	shalt  }
0x5c: {  	_ =	shalt  }
0x5d: {  	_ =	shalt  }
0x5e: {  	_ =	shalt  }
0x5f: {  	_ =	shalt  }
0x60: {  	_ =	shalt  }
0x61: {  	_ =	shalt  }
0x62: {  	_ =	shalt  }
0x63: {  	_ =	shalt  }
0x64: {  	_ =	shalt  }
0x65: {  	_ =	shalt  }
0x66: {  	_ =	shalt  }
0x67: {  	_ =	shalt  }
0x68: {  	_ =	shalt  }
0x69: {  	_ =	shalt  }
0x6a: {  	_ =	shalt  }
0x6b: {  	_ =	shalt  }
0x6c: {  	_ =	shalt  }
0x6d: {  	_ =	shalt  }
0x6e: {  	_ =	shalt  }
0x6f: {  	_ =	shalt  }
0x70: {  	_ =	shalt  }
0x71: {  	_ =	shalt  }
0x72: {  	_ =	shalt  }
0x73: {  	_ =	shalt  }
0x74: {  	_ =	shalt  }
0x75: {  	_ =	shalt  }
0x76: {  	_ =	shalt  }
0x77: {  	_ =	shalt  }
0x78: {  	_ =	shalt  }
0x79: {  	_ =	shalt  }
0x7a: {  	_ =	shalt  }
0x7b: {  	_ =	shalt  }
0x7c: {  	_ =	shalt  }
0x7d: {  	_ =	shalt  }
0x7e: {  	_ =	shalt  }
0x7f: {  	_ =	shalt  }
0x80: {  	_ =	shalt  }
0x81: {  	_ =	shalt  }
0x82: {  	_ =	shalt  }
0x83: {  	_ =	shalt  }
0x84: {  	_ =	shalt  }
0x85: {  	_ =	shalt  }
0x86: {  	_ =	shalt  }
0x87: {  	_ =	shalt  }
.Lfunc_end0:
.L_simem_size_0:
called_computation_lowered:
.L_overlay_start_0:
0x88: {  	s2 =	sld [smem:$0x3FD9]  }
0x89: {  	s3 =	sld [smem:$0x3FFE];
	_ =	sdelay $0x1  }
0x8a: {  	s1 =	srdreg.scid  }
0x8b: {  	s0 =	sand.u32 $0x1, s1  }
0x8c: {  	s17 =	sshll.u32 s0, $0xA;
	s2 =	sadd.s32 s3, s2  }
0x8d: {  	s2 =	sadd.s32 s2, s17  }
0x8e: {  	[smem:$0x3FC6] =	sst s2  }
0x8f: {  	_ = 	snop  }
0x90: {  	s2 =	sld [smem:$0x3FC8]  }
0x91: {  	s18 =	sld [smem:$0x3FD0];
	(tm) =	ssettm $0x1  }
0x92: {  	s4 =	sld [smem:$0x3FFB];
	_ =	sdelay $0x3  }
0x93: {  	_ =	strace s4  }
0x94: {  	s4 =	sld [smem:$0x3FFC];
	_ =	sdelay $0x3  }
0x95: {  	_ =	strace s4  }
0x96: {  	s4 =	sld [smem:$0x3FFD];
	_ =	sdelay $0x3  }
0x97: {  	_ =	strace s4  }
0x98: {  	_ =	strace $0x8FFFFFFF  }
0x99: {  	s19 =	sld [smem:$0x3FDB];
	_ =	sdelay $0x1  }
0x9a: {  	s5 =	simm.s32 $_scs_section_size  }
0x9b: {  	s6 =	simm.s32 $_size__tile_overlayer_lowered;
	s7 =	simm.s32 $_tile_overlayer_lowered  }
0x9c: {  	s22 =	simm.s32 $0x1BFF;
	s21 =	sshll.u32 s7, $0x1;
	s4 =	sadd.s32 s5, s19  }
0x9d: {  	s8 =	simm.s32 $0x0;
	s20 =	sshll.u32 s6, $0x1;
	s6 =	sadd.s32 s21, s4  }
0x9e: {  	[timem:s8], [sflag:s22] =	dma.local [hbm:s6], s20  }
0x9f: {  	_ =	swait.ge [sflag:s22], s20  }
0xa0: {  	s5 =	ssub.s32 $0x0, s20;
	[sflag:s22] =	ssyncset.done $0x0  }
0xa1: {  	[sflag:s22] =	ssyncadd.s32 s5;
	_ =	sdelay $0x1  }
0xa2: {  	s23 =	simm.s32 $0x1B8B  }
0xa3: {  	_ =	swait.ge [sflag:s23], $0x1  }
0xa4: {  	[sflag:s23] =	ssyncset.done $0x0  }
0xa5: {  	s25 =	simm.s32 $0x1B8E;
	s24 =	sld [smem:$0x3FFE];
	[sflag:s23] =	ssyncadd.s32 $0xFFFFFFFF  }
0xa6: {  	s26 =	simm.s32 $execute0_lowered;
	[smem:$0x3FD2] =	sst s25  }
0xa7: {  	s6 =	sshll.u32 s26, $0x1;
	_ =	strace $0x80000046;
	[dreg:$0x1] =	wrdreg $0xFFFFFFFF  }
0xa8: {  	s28 =	simm.s32 $_size_execute0_lowered;
	s4 =	sadd.s32 s4, s6;
	[dreg:$0x0] =	wrdreg $0x0  }
0xa9: {  	s6 =	sshll.u32 s28, $0x1;
	[dreg:$0x2] =	wrdreg s4  }
0xaa: {  	[dreg:$0x3] =	wrdreg s6  }
0xab: {  	[dreg:$0x4] =	wrdreg $0xC0  }
0xac: {  	_ =	task [dreg:s8], $0x5FFFF  }
0xad: {  	[dreg:$0x1] =	wrdreg $0xFFFFFFFF  }
0xae: {  	[dreg:$0x0] =	wrdreg $0x60  }
0xaf: {  	[dreg:$0x2] =	wrdreg s24  }
0xb0: {  	[dreg:$0x3] =	wrdreg s2  }
0xb1: {  	[dreg:$0x4] =	wrdreg s18  }
0xb2: {  	[dreg:$0x5] =	wrdreg $0x9  }
0xb3: {  	_ =	task.clear_ibuf [dreg:s8], $0x6FFFF;
	_ =	strace $0x90000046  }
0xb4: {  	s29 =	simm.s32 $0x9;
	_ =	strace $0x80000048  }
0xb5: {  	_ =	swait.ge [sflag:s29], $0x1  }
0xb6: {  	[sflag:s29] =	ssyncadd.s32 $0xFFFFFFFF  }
0xb7: {  	_ =	strace $0x90000048  }
0xb8: {  	_ =	sfence  }
0xb9: {  	s30 =	sld [smem:$0x0];
	_ =	sdelay $0x2  }
0xba: {  	s31 =	sshll.u32 s1, $0xD;
	s1 =	sshrl.u32 s1, $0x2  }
0xbb: {  	s3 =	sand.u32 $0x4000, s31;
	s1 =	sadd.s32 s1, s30  }
0xbc: {  	s0 =	sor.u32 s3, s0;
	s1 =	sshll.u32 s1, $0x11  }
0xbd: {  	s0 =	sor.u32 s1, s0  }
0xbe: {  	s0 =	sadd.s32 $0x8F2B, s0  }
0xbf: {  	[sflag:s0] =	ssyncadd.remote.s32 $0x1  }
0xc0: {  	_ =	sfence.sel $0xFFFF  }
0xc1: {  	[dreg:$0x0] =	wrdreg $0xFFFFFFFF;
	(pc) =	sbr.abs _section_cstart, $3  }
0xc2: {  	[dreg:$0x1] =	wrdreg $0xFFFFFFFF  }
0xc3: {  	_ =	task.clear_ibuf [dreg:s8], $0x2FFFF;
	_ =	strace $0x9FFFFFFF  }
0xc4: {  	(tm) =	ssettm $0x7FFFFFFF  }
0xc5: {  	_ =	shalt  }
tec
execute0_lowered:
.L_overlay_start_1:
0x0: {  	(tag) =	ssettag $0x1  }
0x1: {  	s0 =	rddreg [dreg:$0x0]  }
0x2: {  	s1 =	srdreg.scid;
	s2 =	rddreg [dreg:$0x1]  }
0x3: {  	s9 =	stileid.u32;
	s4 =	rddreg [dreg:$0x2];
	s3 =	simm.s32 $0x0  }
0x4: {  	s11 =	simm.s32 $0x3400;
	s14 =	simm.s32 $0x4C00;
	s29 =	simm.s32 $0x5C00  }
0x5: {  	s28 =	simm.s32 $0x1;
	s13 =	simm.s32 $0x2;
	s12 =	simm.s32 $0x9  }
0x6: {  	s31 =	simm.s32 $0xC;
	s30 =	simm.s32 $0x10400;
	s1 =	sand.u32 $0x1, s1  }
0x7: {  	s5 =	sshll.u32 s9, $0xB;
	[smem:$0x7FF] =	sst s3;
	s6 =	sshll.u32 s1, $0xA  }
0x8: {  	s8 =	sadd.s32 $0x300, s2;
	s7 =	ssub.s32 $0x2, s1;
	s5 =	sor.u32 s6, s5  }
0x9: {  	_ =	strace $0x80000047;
	s15 =	sshrl.u32 s7, $0x1;
	s16 =	sshll.u32 s5, $0x7  }
0xa: {  	s6 =	sshrl.u32 s5, $0x3;
	s7 =	ssub.s32 s7, s15;
	s10 =	sadd.s32 s4, s16  }
0xb: {  	s0 =	sadd.s32 s6, s0;
	s26 =	smax.u32 s7, $0x1;
	[dreg:$0x6] =	wrdreg s10  }
0xc: {  	s23 =	sshll.u32 s9, $0x12;
	s0 =	sadd.s32 $0x400, s0;
	[dreg:$0x10] =	wrdreg s26  }
0xd: {  	s9 =	simm.s32 $0x7;
	s17 =	sadd.s32 $0x1000, s10;
	[dreg:$0x5] =	wrdreg s0  }
0xe: {  	s1 =	sshll.u32 s1, $0x11;
	s18 =	sadd.s32 $0x1800, s10;
	[dreg:$0x8] =	wrdreg s17  }
0xf: {  	s5 =	sadd.s32 $0x100, s2;
	s19 =	sadd.s32 $0x2000, s10;
	[dreg:$0x9] =	wrdreg s18  }
0x10: {  	s15 =	simm.s32 $0xC00;
	s20 =	sadd.s32 $0x2800, s10;
	[dreg:$0xa] =	wrdreg s19  }
0x11: {  	s6 =	sadd.s32 $0x200, s2;
	s21 =	sadd.s32 $0x1E000, s10;
	[dreg:$0xb] =	wrdreg s20  }
0x12: {  	s16 =	simm.s32 $0x1400;
	s22 =	sadd.s32 $0x1E800, s10;
	[dreg:$0xc] =	wrdreg s21  }
0x13: {  	s7 =	simm.s32 $0x5400;
	s24 =	sadd.s32 $0x1F000, s10;
	[dreg:$0xd] =	wrdreg s22  }
0x14: {  	s25 =	sadd.s32 $0x1F800, s10;
	s26 =	simm.s32 $0x6400;
	[dreg:$0xe] =	wrdreg s24  }
0x15: {  	s0 =	sadd.s32 $0x800, s10;
	[dreg:$0xf] =	wrdreg s25;
	s17 =	simm.s32 $0x2400  }
0x16: {  	s25 =	simm.s32 $0x3C00;
	s18 =	simm.s32 $0x3;
	s10 =	simm.s32 $0x4  }
0x17: {  	s19 =	simm.s32 $0x8;
	s21 =	simm.s32 $0x5;
	s22 =	simm.s32 $0x6  }
0x18: {  	v2 =	vlaneseq.u32;
	s24 =	simm.s32 $0xB;
	[dreg:$0x7] =	wrdreg s0;
	s0 =	sadd.s32 s23, s4  }
0x19: {  	vm0 =	vmmov $0xffff;
	v1 =	vshrl.u32 v2, $0x3;
	s20 =	simm.s32 $0x0;
	s4 =	simm.s32 $0x2C00;
	s0 =	sadd.s32 s1, s0  }
0x1a: {  	v0 =	vand.u32 $0x7, v2;
	v2 =	vor.u32 $0x8, v2;
	v1 =	vmul.u32 $0x8, v1;
	s23 =	simm.s32 $0xA;
	[dreg:$0x4] =	wrdreg s0;
	s0 =	simm.s32 $0x1C00  }
.LBB2_1:
0x1b: {  	[dreg:$0x11] =	wrdreg s20  }
0x1c: {  	s1 =	rddreg [dreg:$0x5];
	s20 =	simm.s32 $0xD  }
0x1d: {  	[tilespmem:s3], [sflag:$0xD] =	stream.linear.gather [hbm4b:s1+s3], $0x400, $0x38;
	[tilespmem:$0x18400] =	vst v63  }
0x1e: {  	_ =	swait.ge [sflag:s20], $0x400  }
0x1f: {  	[sflag:s20] =	ssyncset.done $0x0  }
0x20: {  	[sflag:s20] =	ssyncadd.s32 $0xFFFFFC00  }
0x21: {  	v3 =	vld [tilespmem:$0x0];
	_ =	sdelay $0x4  }
0x22: {  	v4 =	vshll.u32 v3, $0x3  }
0x23: {  	v3 =	vand.u32 $0x7, v3;
	v4 =	vand.u32 $0xFFFFFFC0, v4  }
0x24: {  	v3 =	vor.u32 v3, v4  }
0x25: {  	v4 =	vperm.xlane v3, v0;
	_ =	sdelay $0x1  }
0x26: {  	v4 =	vadd.s32 v1, v4;
	_ =	sdelay $0x3  }
0x27: {  	s20 =	simm.s32 $0x400  }
0x28: {  	[tilespmem:s20], [sflag:$0x1] =	stream.indirect_vreg.gather [hbm4b:s2+s3], $0x80, v4, vm0, $0xb8;
	[tilespmem:$0x18400] =	vst v63  }
0x29: {  	v3 =	vperm.xlane v3, v2  }
0x2a: {  	[tilespmem:s15], [sflag:$0x1] =	stream.indirect_vreg.gather [hbm4b:s5+s3], $0x80, v4, vm0, $0xb8;
	[tilespmem:$0x18400] =	vst v63  }
0x2b: {  	v3 =	vadd.s32 v1, v3  }
0x2c: {  	[tilespmem:s16], [sflag:$0x1] =	stream.indirect_vreg.gather [hbm4b:s6+s3], $0x80, v4, vm0, $0xb8;
	[tilespmem:$0x18400] =	vst v63  }
0x2d: {  	_ = 	snop  }
0x2e: {  	[tilespmem:s0], [sflag:$0x1] =	stream.indirect_vreg.gather [hbm4b:s8+s3], $0x80, v4, vm0, $0xb8;
	[tilespmem:$0x18400] =	vst v63  }
0x2f: {  	_ = 	snop  }
0x30: {  	[tilespmem:s17], [sflag:$0x1] =	stream.indirect_vreg.gather [hbm4b:s2+s3], $0x80, v3, vm0, $0xb8;
	[tilespmem:$0x18400] =	vst v63  }
0x31: {  	_ = 	snop  }
0x32: {  	[tilespmem:s4], [sflag:$0x1] =	stream.indirect_vreg.gather [hbm4b:s5+s3], $0x80, v3, vm0, $0xb8;
	[tilespmem:$0x18400] =	vst v63  }
0x33: {  	_ = 	snop  }
0x34: {  	[tilespmem:s11], [sflag:$0x1] =	stream.indirect_vreg.gather [hbm4b:s6+s3], $0x80, v3, vm0, $0xb8;
	[tilespmem:$0x18400] =	vst v63  }
0x35: {  	_ = 	snop  }
0x36: {  	[tilespmem:s25], [sflag:$0x1] =	stream.indirect_vreg.gather [hbm4b:s8+s3], $0x80, v3, vm0, $0xb8;
	[tilespmem:$0x18400] =	vst v63  }
0x37: {  	v3 =	vld [tilespmem:$0x10];
	_ =	sdelay $0x4  }
0x38: {  	v55 =	vshll.u32 v3, $0x3  }
0x39: {  	v3 =	vand.u32 $0x7, v3;
	v4 =	vand.u32 $0xFFFFFFC0, v55  }
0x3a: {  	v3 =	vor.u32 v3, v4  }
0x3b: {  	v4 =	vperm.xlane v3, v0;
	_ =	sdelay $0x1  }
0x3c: {  	v4 =	vadd.s32 v1, v4;
	_ =	sdelay $0x3  }
0x3d: {  	s1 =	simm.s32 $0x4400  }
0x3e: {  	[tilespmem:s1], [sflag:$0x2] =	stream.indirect_vreg.gather [hbm4b:s2+s3], $0x80, v4, vm0, $0xb8;
	[tilespmem:$0x18400] =	vst v63  }
0x3f: {  	v3 =	vperm.xlane v3, v2  }
0x40: {  	[tilespmem:s14], [sflag:$0x2] =	stream.indirect_vreg.gather [hbm4b:s5+s3], $0x80, v4, vm0, $0xb8;
	[tilespmem:$0x18400] =	vst v63  }
0x41: {  	v3 =	vadd.s32 v1, v3  }
0x42: {  	[tilespmem:s7], [sflag:$0x2] =	stream.indirect_vreg.gather [hbm4b:s6+s3], $0x80, v4, vm0, $0xb8;
	[tilespmem:$0x18400] =	vst v63  }
0x43: {  	_ = 	snop  }
0x44: {  	[tilespmem:s29], [sflag:$0x2] =	stream.indirect_vreg.gather [hbm4b:s8+s3], $0x80, v4, vm0, $0xb8;
	[tilespmem:$0x18400] =	vst v63  }
0x45: {  	_ = 	snop  }
0x46: {  	[tilespmem:s26], [sflag:$0x2] =	stream.indirect_vreg.gather [hbm4b:s2+s3], $0x80, v3, vm0, $0xb8;
	[tilespmem:$0x18400] =	vst v63  }
0x47: {  	s1 =	simm.s32 $0x6C00  }
0x48: {  	[tilespmem:s1], [sflag:$0x2] =	stream.indirect_vreg.gather [hbm4b:s5+s3], $0x80, v3, vm0, $0xb8;
	[tilespmem:$0x18400] =	vst v63  }
0x49: {  	s1 =	simm.s32 $0x7400  }
0x4a: {  	[tilespmem:s1], [sflag:$0x2] =	stream.indirect_vreg.gather [hbm4b:s6+s3], $0x80, v3, vm0, $0xb8;
	[tilespmem:$0x18400] =	vst v63  }
0x4b: {  	s1 =	simm.s32 $0x7C00  }
0x4c: {  	[tilespmem:s1], [sflag:$0x2] =	stream.indirect_vreg.gather [hbm4b:s8+s3], $0x80, v3, vm0, $0xb8;
	[tilespmem:$0x18400] =	vst v63  }
0x4d: {  	v3 =	vld [tilespmem:$0x20];
	_ =	sdelay $0x4  }
0x4e: {  	v56 =	vshll.u32 v3, $0x3  }
0x4f: {  	v3 =	vand.u32 $0x7, v3;
	v4 =	vand.u32 $0xFFFFFFC0, v56  }
0x50: {  	v3 =	vor.u32 v3, v4  }
0x51: {  	v4 =	vperm.xlane v3, v0;
	_ =	sdelay $0x1  }
0x52: {  	v4 =	vadd.s32 v1, v4;
	_ =	sdelay $0x3  }
0x53: {  	s1 =	simm.s32 $0x8400  }
0x54: {  	[tilespmem:s1], [sflag:$0x3] =	stream.indirect_vreg.gather [hbm4b:s2+s3], $0x80, v4, vm0, $0xb8;
	[tilespmem:$0x18400] =	vst v63  }
0x55: {  	v3 =	vperm.xlane v3, v2;
	s1 =	simm.s32 $0x8C00  }
0x56: {  	[tilespmem:s1], [sflag:$0x3] =	stream.indirect_vreg.gather [hbm4b:s5+s3], $0x80, v4, vm0, $0xb8;
	[tilespmem:$0x18400] =	vst v63  }
0x57: {  	v3 =	vadd.s32 v1, v3;
	s1 =	simm.s32 $0x9400  }
0x58: {  	[tilespmem:s1], [sflag:$0x3] =	stream.indirect_vreg.gather [hbm4b:s6+s3], $0x80, v4, vm0, $0xb8;
	[tilespmem:$0x18400] =	vst v63  }
0x59: {  	s1 =	simm.s32 $0x9C00  }
0x5a: {  	[tilespmem:s1], [sflag:$0x3] =	stream.indirect_vreg.gather [hbm4b:s8+s3], $0x80, v4, vm0, $0xb8;
	[tilespmem:$0x18400] =	vst v63  }
0x5b: {  	s1 =	simm.s32 $0xA400  }
0x5c: {  	[tilespmem:s1], [sflag:$0x3] =	stream.indirect_vreg.gather [hbm4b:s2+s3], $0x80, v3, vm0, $0xb8;
	[tilespmem:$0x18400] =	vst v63  }
0x5d: {  	s1 =	simm.s32 $0xAC00  }
0x5e: {  	[tilespmem:s1], [sflag:$0x3] =	stream.indirect_vreg.gather [hbm4b:s5+s3], $0x80, v3, vm0, $0xb8;
	[tilespmem:$0x18400] =	vst v63  }
0x5f: {  	s1 =	simm.s32 $0xB400  }
0x60: {  	[tilespmem:s1], [sflag:$0x3] =	stream.indirect_vreg.gather [hbm4b:s6+s3], $0x80, v3, vm0, $0xb8;
	[tilespmem:$0x18400] =	vst v63  }
0x61: {  	s1 =	simm.s32 $0xBC00  }
0x62: {  	[tilespmem:s1], [sflag:$0x3] =	stream.indirect_vreg.gather [hbm4b:s8+s3], $0x80, v3, vm0, $0xb8;
	[tilespmem:$0x18400] =	vst v63  }
0x63: {  	v3 =	vld [tilespmem:$0x30];
	_ =	sdelay $0x4  }
0x64: {  	v57 =	vshll.u32 v3, $0x3  }
0x65: {  	v3 =	vand.u32 $0x7, v3;
	v4 =	vand.u32 $0xFFFFFFC0, v57  }
0x66: {  	v3 =	vor.u32 v3, v4  }
0x67: {  	v4 =	vperm.xlane v3, v0;
	_ =	sdelay $0x1  }
0x68: {  	v4 =	vadd.s32 v1, v4;
	_ =	sdelay $0x3  }
0x69: {  	s1 =	simm.s32 $0xC400  }
0x6a: {  	[tilespmem:s1], [sflag:$0x4] =	stream.indirect_vreg.gather [hbm4b:s2+s3], $0x80, v4, vm0, $0xb8;
	[tilespmem:$0x18400] =	vst v63  }
0x6b: {  	v3 =	vperm.xlane v3, v2;
	s1 =	simm.s32 $0xCC00  }
0x6c: {  	[tilespmem:s1], [sflag:$0x4] =	stream.indirect_vreg.gather [hbm4b:s5+s3], $0x80, v4, vm0, $0xb8;
	[tilespmem:$0x18400] =	vst v63  }
0x6d: {  	v3 =	vadd.s32 v1, v3;
	s1 =	simm.s32 $0xD400  }
0x6e: {  	[tilespmem:s1], [sflag:$0x4] =	stream.indirect_vreg.gather [hbm4b:s6+s3], $0x80, v4, vm0, $0xb8;
	[tilespmem:$0x18400] =	vst v63  }
0x6f: {  	s1 =	simm.s32 $0xDC00  }
0x70: {  	[tilespmem:s1], [sflag:$0x4] =	stream.indirect_vreg.gather [hbm4b:s8+s3], $0x80, v4, vm0, $0xb8;
	[tilespmem:$0x18400] =	vst v63  }
0x71: {  	s1 =	simm.s32 $0xE400  }
0x72: {  	[tilespmem:s1], [sflag:$0x4] =	stream.indirect_vreg.gather [hbm4b:s2+s3], $0x80, v3, vm0, $0xb8;
	[tilespmem:$0x18400] =	vst v63  }
0x73: {  	s1 =	simm.s32 $0xEC00  }
0x74: {  	[tilespmem:s1], [sflag:$0x4] =	stream.indirect_vreg.gather [hbm4b:s5+s3], $0x80, v3, vm0, $0xb8;
	[tilespmem:$0x18400] =	vst v63  }
0x75: {  	s1 =	simm.s32 $0xF400  }
0x76: {  	[tilespmem:s1], [sflag:$0x4] =	stream.indirect_vreg.gather [hbm4b:s6+s3], $0x80, v3, vm0, $0xb8;
	[tilespmem:$0x18400] =	vst v63  }
0x77: {  	s1 =	simm.s32 $0xFC00  }
0x78: {  	[tilespmem:s1], [sflag:$0x4] =	stream.indirect_vreg.gather [hbm4b:s8+s3], $0x80, v3, vm0, $0xb8;
	[tilespmem:$0x18400] =	vst v63  }
0x79: {  	_ =	swait.ge [sflag:s28], $0x4000  }
0x7a: {  	[sflag:s28] =	ssyncset.done $0x0  }
0x7b: {  	[sflag:s28] =	ssyncadd.s32 $0xFFFFC000  }
0x7c: {  	v3 =	vld [tilespmem:$0x40];
	_ =	sdelay $0x4  }
0x7d: {  	v58 =	vshll.u32 v3, $0x3  }
0x7e: {  	v3 =	vand.u32 $0x7, v3;
	v4 =	vand.u32 $0xFFFFFFC0, v58  }
0x7f: {  	v3 =	vor.u32 v3, v4  }
0x80: {  	v4 =	vperm.xlane v3, v0;
	_ =	sdelay $0x1  }
0x81: {  	v4 =	vadd.s32 v1, v4;
	_ =	sdelay $0x4  }
0x82: {  	[tilespmem:s30], [sflag:$0x5] =	stream.indirect_vreg.gather [hbm4b:s2+s3], $0x80, v4, vm0, $0xb8;
	[tilespmem:$0x18400] =	vst v63  }
0x83: {  	s1 =	simm.s32 $0x10C00;
	v3 =	vperm.xlane v3, v2  }
0x84: {  	[tilespmem:s1], [sflag:$0x5] =	stream.indirect_vreg.gather [hbm4b:s5+s3], $0x80, v4, vm0, $0xb8;
	[tilespmem:$0x18400] =	vst v63  }
0x85: {  	v3 =	vadd.s32 v1, v3;
	s1 =	simm.s32 $0x11400  }
0x86: {  	[tilespmem:s1], [sflag:$0x5] =	stream.indirect_vreg.gather [hbm4b:s6+s3], $0x80, v4, vm0, $0xb8;
	[tilespmem:$0x18400] =	vst v63  }
0x87: {  	s1 =	simm.s32 $0x11C00  }
0x88: {  	[tilespmem:s1], [sflag:$0x5] =	stream.indirect_vreg.gather [hbm4b:s8+s3], $0x80, v4, vm0, $0xb8;
	[tilespmem:$0x18400] =	vst v63  }
0x89: {  	s1 =	simm.s32 $0x12400  }
0x8a: {  	[tilespmem:s1], [sflag:$0x5] =	stream.indirect_vreg.gather [hbm4b:s2+s3], $0x80, v3, vm0, $0xb8;
	[tilespmem:$0x18400] =	vst v63  }
0x8b: {  	s1 =	simm.s32 $0x12C00  }
0x8c: {  	[tilespmem:s1], [sflag:$0x5] =	stream.indirect_vreg.gather [hbm4b:s5+s3], $0x80, v3, vm0, $0xb8;
	[tilespmem:$0x18400] =	vst v63  }
0x8d: {  	s1 =	simm.s32 $0x13400  }
0x8e: {  	[tilespmem:s1], [sflag:$0x5] =	stream.indirect_vreg.gather [hbm4b:s6+s3], $0x80, v3, vm0, $0xb8;
	[tilespmem:$0x18400] =	vst v63  }
0x8f: {  	s1 =	simm.s32 $0x13C00  }
0x90: {  	[tilespmem:s1], [sflag:$0x5] =	stream.indirect_vreg.gather [hbm4b:s8+s3], $0x80, v3, vm0, $0xb8;
	[tilespmem:$0x18400] =	vst v63  }
0x91: {  	s20 =	simm.s32 $0x400;
	s1 =	rddreg [dreg:$0x6]  }
0x92: {  	[hbm4b:s1+s3] =	stream.linear.scatter [tilespmem:s20], [sflag:$0x7], $0x4000, $0x38;
	[tilespmem:$0x18400] =	vst v63  }
0x93: {  	_ =	swait.ge [sflag:s13], $0x4000  }
0x94: {  	[sflag:s13] =	ssyncset.done $0x0  }
0x95: {  	[sflag:s13] =	ssyncadd.s32 $0xFFFFC000  }
0x96: {  	v3 =	vld [tilespmem:$0x50];
	_ =	sdelay $0x4  }
0x97: {  	v59 =	vshll.u32 v3, $0x3  }
0x98: {  	v3 =	vand.u32 $0x7, v3;
	v4 =	vand.u32 $0xFFFFFFC0, v59  }
0x99: {  	v3 =	vor.u32 v3, v4  }
0x9a: {  	v4 =	vperm.xlane v3, v0;
	_ =	sdelay $0x1  }
0x9b: {  	v4 =	vadd.s32 v1, v4;
	_ =	sdelay $0x3  }
0x9c: {  	s20 =	simm.s32 $0x14400  }
0x9d: {  	[tilespmem:s20], [sflag:$0x6] =	stream.indirect_vreg.gather [hbm4b:s2+s3], $0x80, v4, vm0, $0xb8;
	[tilespmem:$0x18400] =	vst v63  }
0x9e: {  	v3 =	vperm.xlane v3, v2;
	s20 =	simm.s32 $0x14C00  }
0x9f: {  	[tilespmem:s20], [sflag:$0x6] =	stream.indirect_vreg.gather [hbm4b:s5+s3], $0x80, v4, vm0, $0xb8;
	[tilespmem:$0x18400] =	vst v63  }
0xa0: {  	v3 =	vadd.s32 v1, v3;
	s20 =	simm.s32 $0x15400  }
0xa1: {  	[tilespmem:s20], [sflag:$0x6] =	stream.indirect_vreg.gather [hbm4b:s6+s3], $0x80, v4, vm0, $0xb8;
	[tilespmem:$0x18400] =	vst v63  }
0xa2: {  	s20 =	simm.s32 $0x15C00  }
0xa3: {  	[tilespmem:s20], [sflag:$0x6] =	stream.indirect_vreg.gather [hbm4b:s8+s3], $0x80, v4, vm0, $0xb8;
	[tilespmem:$0x18400] =	vst v63  }
0xa4: {  	s20 =	simm.s32 $0x16400  }
0xa5: {  	[tilespmem:s20], [sflag:$0x6] =	stream.indirect_vreg.gather [hbm4b:s2+s3], $0x80, v3, vm0, $0xb8;
	[tilespmem:$0x18400] =	vst v63  }
0xa6: {  	s20 =	simm.s32 $0x16C00  }
0xa7: {  	[tilespmem:s20], [sflag:$0x6] =	stream.indirect_vreg.gather [hbm4b:s5+s3], $0x80, v3, vm0, $0xb8;
	[tilespmem:$0x18400] =	vst v63  }
0xa8: {  	s20 =	simm.s32 $0x17400  }
0xa9: {  	[tilespmem:s20], [sflag:$0x6] =	stream.indirect_vreg.gather [hbm4b:s6+s3], $0x80, v3, vm0, $0xb8;
	[tilespmem:$0x18400] =	vst v63  }
0xaa: {  	s20 =	simm.s32 $0x17C00  }
0xab: {  	[tilespmem:s20], [sflag:$0x6] =	stream.indirect_vreg.gather [hbm4b:s8+s3], $0x80, v3, vm0, $0xb8;
	[tilespmem:$0x18400] =	vst v63  }
0xac: {  	s1 =	rddreg [dreg:$0x7];
	s20 =	simm.s32 $0x4400  }
0xad: {  	[hbm4b:s1+s3] =	stream.linear.scatter [tilespmem:s20], [sflag:$0x8], $0x4000, $0x38;
	[tilespmem:$0x18400] =	vst v63  }
0xae: {  	_ =	swait.ge [sflag:s18], $0x4000  }
0xaf: {  	[sflag:s18] =	ssyncset.done $0x0  }
0xb0: {  	[sflag:s18] =	ssyncadd.s32 $0xFFFFC000  }
0xb1: {  	_ =	swait.ge [sflag:s9], $0x4000  }
0xb2: {  	[sflag:s9] =	ssyncset.done $0x0  }
0xb3: {  	[sflag:s9] =	ssyncadd.s32 $0xFFFFC000  }
0xb4: {  	v3 =	vld [tilespmem:$0x60];
	_ =	sdelay $0x4  }
0xb5: {  	v60 =	vshll.u32 v3, $0x3  }
0xb6: {  	v3 =	vand.u32 $0x7, v3;
	v4 =	vand.u32 $0xFFFFFFC0, v60  }
0xb7: {  	v3 =	vor.u32 v3, v4  }
0xb8: {  	v4 =	vperm.xlane v3, v0;
	_ =	sdelay $0x1  }
0xb9: {  	v4 =	vadd.s32 v1, v4;
	_ =	sdelay $0x3  }
0xba: {  	s20 =	simm.s32 $0x400  }
0xbb: {  	[tilespmem:s20], [sflag:$0x1] =	stream.indirect_vreg.gather [hbm4b:s2+s3], $0x80, v4, vm0, $0xb8;
	[tilespmem:$0x18400] =	vst v63  }
0xbc: {  	v3 =	vperm.xlane v3, v2  }
0xbd: {  	[tilespmem:s15], [sflag:$0x1] =	stream.indirect_vreg.gather [hbm4b:s5+s3], $0x80, v4, vm0, $0xb8;
	[tilespmem:$0x18400] =	vst v63  }
0xbe: {  	v3 =	vadd.s32 v1, v3  }
0xbf: {  	[tilespmem:s16], [sflag:$0x1] =	stream.indirect_vreg.gather [hbm4b:s6+s3], $0x80, v4, vm0, $0xb8;
	[tilespmem:$0x18400] =	vst v63  }
0xc0: {  	_ = 	snop  }
0xc1: {  	[tilespmem:s0], [sflag:$0x1] =	stream.indirect_vreg.gather [hbm4b:s8+s3], $0x80, v4, vm0, $0xb8;
	[tilespmem:$0x18400] =	vst v63  }
0xc2: {  	_ = 	snop  }
0xc3: {  	[tilespmem:s17], [sflag:$0x1] =	stream.indirect_vreg.gather [hbm4b:s2+s3], $0x80, v3, vm0, $0xb8;
	[tilespmem:$0x18400] =	vst v63  }
0xc4: {  	_ = 	snop  }
0xc5: {  	[tilespmem:s4], [sflag:$0x1] =	stream.indirect_vreg.gather [hbm4b:s5+s3], $0x80, v3, vm0, $0xb8;
	[tilespmem:$0x18400] =	vst v63  }
0xc6: {  	_ = 	snop  }
0xc7: {  	[tilespmem:s11], [sflag:$0x1] =	stream.indirect_vreg.gather [hbm4b:s6+s3], $0x80, v3, vm0, $0xb8;
	[tilespmem:$0x18400] =	vst v63  }
0xc8: {  	_ = 	snop  }
0xc9: {  	[tilespmem:s25], [sflag:$0x1] =	stream.indirect_vreg.gather [hbm4b:s8+s3], $0x80, v3, vm0, $0xb8;
	[tilespmem:$0x18400] =	vst v63  }
0xca: {  	s16 =	rddreg [dreg:$0x8];
	s17 =	simm.s32 $0x8400  }
0xcb: {  	[hbm4b:s16+s3] =	stream.linear.scatter [tilespmem:s17], [sflag:$0x9], $0x4000, $0x38;
	[tilespmem:$0x18400] =	vst v63  }
0xcc: {  	_ =	swait.ge [sflag:s10], $0x4000  }
0xcd: {  	[sflag:s10] =	ssyncset.done $0x0  }
0xce: {  	[sflag:s10] =	ssyncadd.s32 $0xFFFFC000  }
0xcf: {  	_ =	swait.ge [sflag:s19], $0x4000  }
0xd0: {  	[sflag:s19] =	ssyncset.done $0x0  }
0xd1: {  	[sflag:s19] =	ssyncadd.s32 $0xFFFFC000  }
0xd2: {  	v3 =	vld [tilespmem:$0x70];
	_ =	sdelay $0x4  }
0xd3: {  	v61 =	vshll.u32 v3, $0x3  }
0xd4: {  	v3 =	vand.u32 $0x7, v3;
	v4 =	vand.u32 $0xFFFFFFC0, v61  }
0xd5: {  	v3 =	vor.u32 v3, v4  }
0xd6: {  	v4 =	vperm.xlane v3, v0;
	_ =	sdelay $0x1  }
0xd7: {  	v4 =	vadd.s32 v1, v4;
	_ =	sdelay $0x3  }
0xd8: {  	s25 =	simm.s32 $0x4400  }
0xd9: {  	[tilespmem:s25], [sflag:$0x2] =	stream.indirect_vreg.gather [hbm4b:s2+s3], $0x80, v4, vm0, $0xb8;
	[tilespmem:$0x18400] =	vst v63  }
0xda: {  	v3 =	vperm.xlane v3, v2  }
0xdb: {  	[tilespmem:s14], [sflag:$0x2] =	stream.indirect_vreg.gather [hbm4b:s5+s3], $0x80, v4, vm0, $0xb8;
	[tilespmem:$0x18400] =	vst v63  }
0xdc: {  	v3 =	vadd.s32 v1, v3  }
0xdd: {  	[tilespmem:s7], [sflag:$0x2] =	stream.indirect_vreg.gather [hbm4b:s6+s3], $0x80, v4, vm0, $0xb8;
	[tilespmem:$0x18400] =	vst v63  }
0xde: {  	_ = 	snop  }
0xdf: {  	[tilespmem:s29], [sflag:$0x2] =	stream.indirect_vreg.gather [hbm4b:s8+s3], $0x80, v4, vm0, $0xb8;
	[tilespmem:$0x18400] =	vst v63  }
0xe0: {  	_ = 	snop  }
0xe1: {  	[tilespmem:s26], [sflag:$0x2] =	stream.indirect_vreg.gather [hbm4b:s2+s3], $0x80, v3, vm0, $0xb8;
	[tilespmem:$0x18400] =	vst v63  }
0xe2: {  	s29 =	simm.s32 $0x6C00  }
0xe3: {  	[tilespmem:s29], [sflag:$0x2] =	stream.indirect_vreg.gather [hbm4b:s5+s3], $0x80, v3, vm0, $0xb8;
	[tilespmem:$0x18400] =	vst v63  }
0xe4: {  	s1 =	simm.s32 $0x7400  }
0xe5: {  	[tilespmem:s1], [sflag:$0x2] =	stream.indirect_vreg.gather [hbm4b:s6+s3], $0x80, v3, vm0, $0xb8;
	[tilespmem:$0x18400] =	vst v63  }
0xe6: {  	s7 =	simm.s32 $0x7C00  }
0xe7: {  	[tilespmem:s7], [sflag:$0x2] =	stream.indirect_vreg.gather [hbm4b:s8+s3], $0x80, v3, vm0, $0xb8;
	[tilespmem:$0x18400] =	vst v63  }
0xe8: {  	s11 =	rddreg [dreg:$0x9];
	s14 =	simm.s32 $0xC400  }
0xe9: {  	[hbm4b:s11+s3] =	stream.linear.scatter [tilespmem:s14], [sflag:$0xA], $0x4000, $0x38;
	[tilespmem:$0x18400] =	vst v63  }
0xea: {  	_ =	swait.ge [sflag:s21], $0x4000  }
0xeb: {  	[sflag:s21] =	ssyncset.done $0x0  }
0xec: {  	[sflag:s21] =	ssyncadd.s32 $0xFFFFC000  }
0xed: {  	_ =	swait.ge [sflag:s12], $0x4000  }
0xee: {  	[sflag:s12] =	ssyncset.done $0x0  }
0xef: {  	[sflag:s12] =	ssyncadd.s32 $0xFFFFC000  }
0xf0: {  	v3 =	vld [tilespmem:$0x80];
	_ =	sdelay $0x4  }
0xf1: {  	v62 =	vshll.u32 v3, $0x3  }
0xf2: {  	v3 =	vand.u32 $0x7, v3;
	v4 =	vand.u32 $0xFFFFFFC0, v62  }
0xf3: {  	v3 =	vor.u32 v3, v4  }
0xf4: {  	v4 =	vperm.xlane v3, v0;
	_ =	sdelay $0x1  }
0xf5: {  	v4 =	vadd.s32 v1, v4;
	_ =	sdelay $0x4  }
0xf6: {  	[tilespmem:s17], [sflag:$0x3] =	stream.indirect_vreg.gather [hbm4b:s2+s3], $0x80, v4, vm0, $0xb8;
	[tilespmem:$0x18400] =	vst v63  }
0xf7: {  	s15 =	simm.s32 $0x8C00;
	v3 =	vperm.xlane v3, v2  }
0xf8: {  	[tilespmem:s15], [sflag:$0x3] =	stream.indirect_vreg.gather [hbm4b:s5+s3], $0x80, v4, vm0, $0xb8;
	[tilespmem:$0x18400] =	vst v63  }
0xf9: {  	s16 =	simm.s32 $0x9400;
	v3 =	vadd.s32 v1, v3  }
0xfa: {  	[tilespmem:s16], [sflag:$0x3] =	stream.indirect_vreg.gather [hbm4b:s6+s3], $0x80, v4, vm0, $0xb8;
	[tilespmem:$0x18400] =	vst v63  }
0xfb: {  	s17 =	simm.s32 $0x9C00  }
0xfc: {  	[tilespmem:s17], [sflag:$0x3] =	stream.indirect_vreg.gather [hbm4b:s8+s3], $0x80, v4, vm0, $0xb8;
	[tilespmem:$0x18400] =	vst v63  }
0xfd: {  	s25 =	simm.s32 $0xA400  }
0xfe: {  	[tilespmem:s25], [sflag:$0x3] =	stream.indirect_vreg.gather [hbm4b:s2+s3], $0x80, v3, vm0, $0xb8;
	[tilespmem:$0x18400] =	vst v63  }
0xff: {  	s26 =	simm.s32 $0xAC00  }
0x100: {  	[tilespmem:s26], [sflag:$0x3] =	stream.indirect_vreg.gather [hbm4b:s5+s3], $0x80, v3, vm0, $0xb8;
	[tilespmem:$0x18400] =	vst v63  }
0x101: {  	s29 =	simm.s32 $0xB400  }
0x102: {  	[tilespmem:s29], [sflag:$0x3] =	stream.indirect_vreg.gather [hbm4b:s6+s3], $0x80, v3, vm0, $0xb8;
	[tilespmem:$0x18400] =	vst v63  }
0x103: {  	s4 =	simm.s32 $0xBC00  }
0x104: {  	[tilespmem:s4], [sflag:$0x3] =	stream.indirect_vreg.gather [hbm4b:s8+s3], $0x80, v3, vm0, $0xb8;
	[tilespmem:$0x18400] =	vst v63  }
0x105: {  	s7 =	rddreg [dreg:$0xa]  }
0x106: {  	[hbm4b:s7+s3] =	stream.linear.scatter [tilespmem:s30], [sflag:$0xB], $0x4000, $0x38;
	[tilespmem:$0x18400] =	vst v63  }
0x107: {  	_ =	swait.ge [sflag:s22], $0x4000  }
0x108: {  	[sflag:s22] =	ssyncset.done $0x0  }
0x109: {  	[sflag:s22] =	ssyncadd.s32 $0xFFFFC000  }
0x10a: {  	_ =	swait.ge [sflag:s23], $0x4000  }
0x10b: {  	[sflag:s23] =	ssyncset.done $0x0  }
0x10c: {  	[sflag:s23] =	ssyncadd.s32 $0xFFFFC000  }
0x10d: {  	v3 =	vld [tilespmem:$0x90];
	_ =	sdelay $0x4  }
0x10e: {  	v63 =	vshll.u32 v3, $0x3  }
0x10f: {  	v3 =	vand.u32 $0x7, v3;
	v4 =	vand.u32 $0xFFFFFFC0, v63  }
0x110: {  	v3 =	vor.u32 v3, v4  }
0x111: {  	v4 =	vperm.xlane v3, v0;
	_ =	sdelay $0x1  }
0x112: {  	v4 =	vadd.s32 v1, v4;
	_ =	sdelay $0x4  }
0x113: {  	[tilespmem:s14], [sflag:$0x4] =	stream.indirect_vreg.gather [hbm4b:s2+s3], $0x80, v4, vm0, $0xb8;
	[tilespmem:$0x18400] =	vst v63  }
0x114: {  	s11 =	simm.s32 $0xCC00;
	v3 =	vperm.xlane v3, v2  }
0x115: {  	[tilespmem:s11], [sflag:$0x4] =	stream.indirect_vreg.gather [hbm4b:s5+s3], $0x80, v4, vm0, $0xb8;
	[tilespmem:$0x18400] =	vst v63  }
0x116: {  	v3 =	vadd.s32 v1, v3;
	s14 =	simm.s32 $0xD400  }
0x117: {  	[tilespmem:s14], [sflag:$0x4] =	stream.indirect_vreg.gather [hbm4b:s6+s3], $0x80, v4, vm0, $0xb8;
	[tilespmem:$0x18400] =	vst v63  }
0x118: {  	s15 =	simm.s32 $0xDC00  }
0x119: {  	[tilespmem:s15], [sflag:$0x4] =	stream.indirect_vreg.gather [hbm4b:s8+s3], $0x80, v4, vm0, $0xb8;
	[tilespmem:$0x18400] =	vst v63  }
0x11a: {  	s16 =	simm.s32 $0xE400  }
0x11b: {  	[tilespmem:s16], [sflag:$0x4] =	stream.indirect_vreg.gather [hbm4b:s2+s3], $0x80, v3, vm0, $0xb8;
	[tilespmem:$0x18400] =	vst v63  }
0x11c: {  	s17 =	simm.s32 $0xEC00  }
0x11d: {  	[tilespmem:s17], [sflag:$0x4] =	stream.indirect_vreg.gather [hbm4b:s5+s3], $0x80, v3, vm0, $0xb8;
	[tilespmem:$0x18400] =	vst v63  }
0x11e: {  	s20 =	simm.s32 $0x14400;
	s25 =	simm.s32 $0xF400  }
0x11f: {  	[tilespmem:s25], [sflag:$0x4] =	stream.indirect_vreg.gather [hbm4b:s6+s3], $0x80, v3, vm0, $0xb8;
	[tilespmem:$0x18400] =	vst v63  }
0x120: {  	s0 =	simm.s32 $0x5C00;
	s26 =	simm.s32 $0xFC00;
	s4 =	simm.s32 $0x6400  }
0x121: {  	[tilespmem:s26], [sflag:$0x4] =	stream.indirect_vreg.gather [hbm4b:s8+s3], $0x80, v3, vm0, $0xb8;
	[tilespmem:$0x18400] =	vst v63  }
0x122: {  	s29 =	rddreg [dreg:$0xb];
	s15 =	simm.s32 $0x0;
	s25 =	simm.s32 $0xF0  }
0x123: {  	[hbm4b:s29+s3] =	stream.linear.scatter [tilespmem:s20], [sflag:$0xC], $0x4000, $0x38;
	[tilespmem:$0x18400] =	vst v63  }
.LBB2_2:
0x124: {  	_ =	swait.ge [sflag:s28], $0x4000  }
0x125: {  	[sflag:s28] =	ssyncset.done $0x0  }
0x126: {  	[sflag:s28] =	ssyncadd.s32 $0xFFFFC000  }
0x127: {  	_ =	swait.ge [sflag:s24], $0x4000  }
0x128: {  	[sflag:s24] =	ssyncset.done $0x0  }
0x129: {  	[sflag:s24] =	ssyncadd.s32 $0xFFFFC000  }
0x12a: {  	v3 =	vld [tilespmem:s25+$0xFFFFFFB0];
	_ =	sdelay $0x4  }
0x12b: {  	v4 =	vshll.u32 v3, $0x3  }
0x12c: {  	v3 =	vand.u32 $0x7, v3;
	v4 =	vand.u32 $0xFFFFFFC0, v4  }
0x12d: {  	v3 =	vor.u32 v3, v4  }
0x12e: {  	v4 =	vperm.xlane v3, v0;
	_ =	sdelay $0x1  }
0x12f: {  	v4 =	vadd.s32 v1, v4;
	_ =	sdelay $0x4  }
0x130: {  	[tilespmem:s30], [sflag:$0x5] =	stream.indirect_vreg.gather [hbm4b:s2+s3], $0x80, v4, vm0, $0xb8;
	[tilespmem:$0x18400] =	vst v63  }
0x131: {  	s1 =	simm.s32 $0x10C00;
	v3 =	vperm.xlane v3, v2  }
0x132: {  	[tilespmem:s1], [sflag:$0x5] =	stream.indirect_vreg.gather [hbm4b:s5+s3], $0x80, v4, vm0, $0xb8;
	[tilespmem:$0x18400] =	vst v63  }
0x133: {  	s17 =	simm.s32 $0x11400;
	v3 =	vadd.s32 v1, v3  }
0x134: {  	[tilespmem:s17], [sflag:$0x5] =	stream.indirect_vreg.gather [hbm4b:s6+s3], $0x80, v4, vm0, $0xb8;
	[tilespmem:$0x18400] =	vst v63  }
0x135: {  	s26 =	simm.s32 $0x11C00  }
0x136: {  	[tilespmem:s26], [sflag:$0x5] =	stream.indirect_vreg.gather [hbm4b:s8+s3], $0x80, v4, vm0, $0xb8;
	[tilespmem:$0x18400] =	vst v63  }
0x137: {  	s7 =	simm.s32 $0x12400  }
0x138: {  	[tilespmem:s7], [sflag:$0x5] =	stream.indirect_vreg.gather [hbm4b:s2+s3], $0x80, v3, vm0, $0xb8;
	[tilespmem:$0x18400] =	vst v63  }
0x139: {  	s11 =	simm.s32 $0x12C00  }
0x13a: {  	[tilespmem:s11], [sflag:$0x5] =	stream.indirect_vreg.gather [hbm4b:s5+s3], $0x80, v3, vm0, $0xb8;
	[tilespmem:$0x18400] =	vst v63  }
0x13b: {  	s14 =	simm.s32 $0x13400;
	s26 =	rddreg [dreg:$0x4]  }
0x13c: {  	[tilespmem:s14], [sflag:$0x5] =	stream.indirect_vreg.gather [hbm4b:s6+s3], $0x80, v3, vm0, $0xb8;
	[tilespmem:$0x18400] =	vst v63  }
0x13d: {  	s16 =	simm.s32 $0x13C00;
	s26 =	sadd.s32 s15, s26  }
0x13e: {  	[tilespmem:s16], [sflag:$0x5] =	stream.indirect_vreg.gather [hbm4b:s8+s3], $0x80, v3, vm0, $0xb8;
	[tilespmem:$0x18400] =	vst v63  }
0x13f: {  	s17 =	sadd.s32 $0x3000, s26;
	s11 =	simm.s32 $0x400  }
0x140: {  	[hbm4b:s17+s3] =	stream.linear.scatter [tilespmem:s11], [sflag:$0x7], $0x4000, $0x38;
	[tilespmem:$0x18400] =	vst v63  }
0x141: {  	_ =	swait.ge [sflag:s13], $0x4000  }
0x142: {  	[sflag:s13] =	ssyncset.done $0x0  }
0x143: {  	[sflag:s13] =	ssyncadd.s32 $0xFFFFC000  }
0x144: {  	_ =	swait.ge [sflag:s31], $0x4000  }
0x145: {  	[sflag:s31] =	ssyncset.done $0x0  }
0x146: {  	[sflag:s31] =	ssyncadd.s32 $0xFFFFC000  }
0x147: {  	v3 =	vld [tilespmem:s25+$0xFFFFFFC0];
	_ =	sdelay $0x4  }
0x148: {  	v59 =	vshll.u32 v3, $0x3  }
0x149: {  	v3 =	vand.u32 $0x7, v3;
	v4 =	vand.u32 $0xFFFFFFC0, v59  }
0x14a: {  	v3 =	vor.u32 v3, v4  }
0x14b: {  	v4 =	vperm.xlane v3, v0;
	_ =	sdelay $0x1  }
0x14c: {  	v4 =	vadd.s32 v1, v4;
	_ =	sdelay $0x4  }
0x14d: {  	[tilespmem:s20], [sflag:$0x6] =	stream.indirect_vreg.gather [hbm4b:s2+s3], $0x80, v4, vm0, $0xb8;
	[tilespmem:$0x18400] =	vst v63  }
0x14e: {  	s7 =	simm.s32 $0x14C00;
	v3 =	vperm.xlane v3, v2  }
0x14f: {  	[tilespmem:s7], [sflag:$0x6] =	stream.indirect_vreg.gather [hbm4b:s5+s3], $0x80, v4, vm0, $0xb8;
	[tilespmem:$0x18400] =	vst v63  }
0x150: {  	s14 =	simm.s32 $0x15400;
	v3 =	vadd.s32 v1, v3  }
0x151: {  	[tilespmem:s14], [sflag:$0x6] =	stream.indirect_vreg.gather [hbm4b:s6+s3], $0x80, v4, vm0, $0xb8;
	[tilespmem:$0x18400] =	vst v63  }
0x152: {  	s16 =	simm.s32 $0x15C00  }
0x153: {  	[tilespmem:s16], [sflag:$0x6] =	stream.indirect_vreg.gather [hbm4b:s8+s3], $0x80, v4, vm0, $0xb8;
	[tilespmem:$0x18400] =	vst v63  }
0x154: {  	s17 =	simm.s32 $0x16400  }
0x155: {  	[tilespmem:s17], [sflag:$0x6] =	stream.indirect_vreg.gather [hbm4b:s2+s3], $0x80, v3, vm0, $0xb8;
	[tilespmem:$0x18400] =	vst v63  }
0x156: {  	s20 =	simm.s32 $0x16C00  }
0x157: {  	[tilespmem:s20], [sflag:$0x6] =	stream.indirect_vreg.gather [hbm4b:s5+s3], $0x80, v3, vm0, $0xb8;
	[tilespmem:$0x18400] =	vst v63  }
0x158: {  	s7 =	simm.s32 $0x17400  }
0x159: {  	[tilespmem:s7], [sflag:$0x6] =	stream.indirect_vreg.gather [hbm4b:s6+s3], $0x80, v3, vm0, $0xb8;
	[tilespmem:$0x18400] =	vst v63  }
0x15a: {  	s14 =	simm.s32 $0x17C00  }
0x15b: {  	[tilespmem:s14], [sflag:$0x6] =	stream.indirect_vreg.gather [hbm4b:s8+s3], $0x80, v3, vm0, $0xb8;
	[tilespmem:$0x18400] =	vst v63  }
0x15c: {  	s16 =	sadd.s32 $0x3800, s26;
	s14 =	simm.s32 $0x4400  }
0x15d: {  	[hbm4b:s16+s3] =	stream.linear.scatter [tilespmem:s14], [sflag:$0x8], $0x4000, $0x38;
	[tilespmem:$0x18400] =	vst v63  }
0x15e: {  	_ =	swait.ge [sflag:s18], $0x4000  }
0x15f: {  	[sflag:s18] =	ssyncset.done $0x0  }
0x160: {  	[sflag:s18] =	ssyncadd.s32 $0xFFFFC000  }
0x161: {  	_ =	swait.ge [sflag:s9], $0x4000  }
0x162: {  	[sflag:s9] =	ssyncset.done $0x0  }
0x163: {  	[sflag:s9] =	ssyncadd.s32 $0xFFFFC000  }
0x164: {  	v3 =	vld [tilespmem:s25+$0xFFFFFFD0];
	_ =	sdelay $0x4  }
0x165: {  	v60 =	vshll.u32 v3, $0x3  }
0x166: {  	v3 =	vand.u32 $0x7, v3;
	v4 =	vand.u32 $0xFFFFFFC0, v60  }
0x167: {  	v3 =	vor.u32 v3, v4  }
0x168: {  	v4 =	vperm.xlane v3, v0;
	_ =	sdelay $0x1  }
0x169: {  	v4 =	vadd.s32 v1, v4;
	_ =	sdelay $0x4  }
0x16a: {  	[tilespmem:s11], [sflag:$0x1] =	stream.indirect_vreg.gather [hbm4b:s2+s3], $0x80, v4, vm0, $0xb8;
	[tilespmem:$0x18400] =	vst v63  }
0x16b: {  	s17 =	simm.s32 $0xC00;
	v3 =	vperm.xlane v3, v2  }
0x16c: {  	[tilespmem:s17], [sflag:$0x1] =	stream.indirect_vreg.gather [hbm4b:s5+s3], $0x80, v4, vm0, $0xb8;
	[tilespmem:$0x18400] =	vst v63  }
0x16d: {  	s20 =	simm.s32 $0x1400;
	v3 =	vadd.s32 v1, v3  }
0x16e: {  	[tilespmem:s20], [sflag:$0x1] =	stream.indirect_vreg.gather [hbm4b:s6+s3], $0x80, v4, vm0, $0xb8;
	[tilespmem:$0x18400] =	vst v63  }
0x16f: {  	s7 =	simm.s32 $0x1C00  }
0x170: {  	[tilespmem:s7], [sflag:$0x1] =	stream.indirect_vreg.gather [hbm4b:s8+s3], $0x80, v4, vm0, $0xb8;
	[tilespmem:$0x18400] =	vst v63  }
0x171: {  	s16 =	simm.s32 $0x2400  }
0x172: {  	[tilespmem:s16], [sflag:$0x1] =	stream.indirect_vreg.gather [hbm4b:s2+s3], $0x80, v3, vm0, $0xb8;
	[tilespmem:$0x18400] =	vst v63  }
0x173: {  	s17 =	simm.s32 $0x2C00  }
0x174: {  	[tilespmem:s17], [sflag:$0x1] =	stream.indirect_vreg.gather [hbm4b:s5+s3], $0x80, v3, vm0, $0xb8;
	[tilespmem:$0x18400] =	vst v63  }
0x175: {  	s11 =	simm.s32 $0x3400  }
0x176: {  	[tilespmem:s11], [sflag:$0x1] =	stream.indirect_vreg.gather [hbm4b:s6+s3], $0x80, v3, vm0, $0xb8;
	[tilespmem:$0x18400] =	vst v63  }
0x177: {  	s20 =	simm.s32 $0x3C00  }
0x178: {  	[tilespmem:s20], [sflag:$0x1] =	stream.indirect_vreg.gather [hbm4b:s8+s3], $0x80, v3, vm0, $0xb8;
	[tilespmem:$0x18400] =	vst v63  }
0x179: {  	s7 =	sadd.s32 $0x4000, s26;
	s17 =	simm.s32 $0x8400  }
0x17a: {  	[hbm4b:s7+s3] =	stream.linear.scatter [tilespmem:s17], [sflag:$0x9], $0x4000, $0x38;
	[tilespmem:$0x18400] =	vst v63  }
0x17b: {  	_ =	swait.ge [sflag:s10], $0x4000  }
0x17c: {  	[sflag:s10] =	ssyncset.done $0x0  }
0x17d: {  	[sflag:s10] =	ssyncadd.s32 $0xFFFFC000  }
0x17e: {  	_ =	swait.ge [sflag:s19], $0x4000  }
0x17f: {  	[sflag:s19] =	ssyncset.done $0x0  }
0x180: {  	[sflag:s19] =	ssyncadd.s32 $0xFFFFC000  }
0x181: {  	v3 =	vld [tilespmem:s25+$0xFFFFFFE0];
	_ =	sdelay $0x4  }
0x182: {  	v61 =	vshll.u32 v3, $0x3  }
0x183: {  	v3 =	vand.u32 $0x7, v3;
	v4 =	vand.u32 $0xFFFFFFC0, v61  }
0x184: {  	v3 =	vor.u32 v3, v4  }
0x185: {  	v4 =	vperm.xlane v3, v0;
	_ =	sdelay $0x1  }
0x186: {  	v4 =	vadd.s32 v1, v4;
	_ =	sdelay $0x4  }
0x187: {  	[tilespmem:s14], [sflag:$0x2] =	stream.indirect_vreg.gather [hbm4b:s2+s3], $0x80, v4, vm0, $0xb8;
	[tilespmem:$0x18400] =	vst v63  }
0x188: {  	v3 =	vperm.xlane v3, v2;
	s14 =	simm.s32 $0x4C00  }
0x189: {  	[tilespmem:s14], [sflag:$0x2] =	stream.indirect_vreg.gather [hbm4b:s5+s3], $0x80, v4, vm0, $0xb8;
	[tilespmem:$0x18400] =	vst v63  }
0x18a: {  	s16 =	simm.s32 $0x5400;
	v3 =	vadd.s32 v1, v3  }
0x18b: {  	[tilespmem:s16], [sflag:$0x2] =	stream.indirect_vreg.gather [hbm4b:s6+s3], $0x80, v4, vm0, $0xb8;
	[tilespmem:$0x18400] =	vst v63  }
0x18c: {  	_ = 	snop  }
0x18d: {  	[tilespmem:s0], [sflag:$0x2] =	stream.indirect_vreg.gather [hbm4b:s8+s3], $0x80, v4, vm0, $0xb8;
	[tilespmem:$0x18400] =	vst v63  }
0x18e: {  	_ = 	snop  }
0x18f: {  	[tilespmem:s4], [sflag:$0x2] =	stream.indirect_vreg.gather [hbm4b:s2+s3], $0x80, v3, vm0, $0xb8;
	[tilespmem:$0x18400] =	vst v63  }
0x190: {  	s20 =	simm.s32 $0x6C00  }
0x191: {  	[tilespmem:s20], [sflag:$0x2] =	stream.indirect_vreg.gather [hbm4b:s5+s3], $0x80, v3, vm0, $0xb8;
	[tilespmem:$0x18400] =	vst v63  }
0x192: {  	s16 =	simm.s32 $0x7400  }
0x193: {  	[tilespmem:s16], [sflag:$0x2] =	stream.indirect_vreg.gather [hbm4b:s6+s3], $0x80, v3, vm0, $0xb8;
	[tilespmem:$0x18400] =	vst v63  }
0x194: {  	s20 =	simm.s32 $0x7C00  }
0x195: {  	[tilespmem:s20], [sflag:$0x2] =	stream.indirect_vreg.gather [hbm4b:s8+s3], $0x80, v3, vm0, $0xb8;
	[tilespmem:$0x18400] =	vst v63  }
0x196: {  	s16 =	sadd.s32 $0x4800, s26;
	s20 =	simm.s32 $0xC400  }
0x197: {  	[hbm4b:s16+s3] =	stream.linear.scatter [tilespmem:s20], [sflag:$0xA], $0x4000, $0x38;
	[tilespmem:$0x18400] =	vst v63  }
0x198: {  	_ =	swait.ge [sflag:s21], $0x4000  }
0x199: {  	[sflag:s21] =	ssyncset.done $0x0  }
0x19a: {  	[sflag:s21] =	ssyncadd.s32 $0xFFFFC000  }
0x19b: {  	_ =	swait.ge [sflag:s12], $0x4000  }
0x19c: {  	[sflag:s12] =	ssyncset.done $0x0  }
0x19d: {  	[sflag:s12] =	ssyncadd.s32 $0xFFFFC000  }
0x19e: {  	v3 =	vld [tilespmem:s25+$0xFFFFFFF0];
	_ =	sdelay $0x4  }
0x19f: {  	v62 =	vshll.u32 v3, $0x3  }
0x1a0: {  	v3 =	vand.u32 $0x7, v3;
	v4 =	vand.u32 $0xFFFFFFC0, v62  }
0x1a1: {  	v3 =	vor.u32 v3, v4  }
0x1a2: {  	v4 =	vperm.xlane v3, v0;
	_ =	sdelay $0x1  }
0x1a3: {  	v4 =	vadd.s32 v1, v4;
	_ =	sdelay $0x4  }
0x1a4: {  	[tilespmem:s17], [sflag:$0x3] =	stream.indirect_vreg.gather [hbm4b:s2+s3], $0x80, v4, vm0, $0xb8;
	[tilespmem:$0x18400] =	vst v63  }
0x1a5: {  	v3 =	vperm.xlane v3, v2;
	s17 =	simm.s32 $0x8C00  }
0x1a6: {  	[tilespmem:s17], [sflag:$0x3] =	stream.indirect_vreg.gather [hbm4b:s5+s3], $0x80, v4, vm0, $0xb8;
	[tilespmem:$0x18400] =	vst v63  }
0x1a7: {  	v3 =	vadd.s32 v1, v3;
	s17 =	simm.s32 $0x9400  }
0x1a8: {  	[tilespmem:s17], [sflag:$0x3] =	stream.indirect_vreg.gather [hbm4b:s6+s3], $0x80, v4, vm0, $0xb8;
	[tilespmem:$0x18400] =	vst v63  }
0x1a9: {  	s17 =	simm.s32 $0x9C00  }
0x1aa: {  	[tilespmem:s17], [sflag:$0x3] =	stream.indirect_vreg.gather [hbm4b:s8+s3], $0x80, v4, vm0, $0xb8;
	[tilespmem:$0x18400] =	vst v63  }
0x1ab: {  	s17 =	simm.s32 $0xA400  }
0x1ac: {  	[tilespmem:s17], [sflag:$0x3] =	stream.indirect_vreg.gather [hbm4b:s2+s3], $0x80, v3, vm0, $0xb8;
	[tilespmem:$0x18400] =	vst v63  }
0x1ad: {  	s17 =	simm.s32 $0xAC00  }
0x1ae: {  	[tilespmem:s17], [sflag:$0x3] =	stream.indirect_vreg.gather [hbm4b:s5+s3], $0x80, v3, vm0, $0xb8;
	[tilespmem:$0x18400] =	vst v63  }
0x1af: {  	s17 =	simm.s32 $0xB400  }
0x1b0: {  	[tilespmem:s17], [sflag:$0x3] =	stream.indirect_vreg.gather [hbm4b:s6+s3], $0x80, v3, vm0, $0xb8;
	[tilespmem:$0x18400] =	vst v63  }
0x1b1: {  	s17 =	simm.s32 $0xBC00  }
0x1b2: {  	[tilespmem:s17], [sflag:$0x3] =	stream.indirect_vreg.gather [hbm4b:s8+s3], $0x80, v3, vm0, $0xb8;
	[tilespmem:$0x18400] =	vst v63  }
0x1b3: {  	s17 =	sadd.s32 $0x5000, s26  }
0x1b4: {  	[hbm4b:s17+s3] =	stream.linear.scatter [tilespmem:s30], [sflag:$0xB], $0x4000, $0x38;
	[tilespmem:$0x18400] =	vst v63  }
0x1b5: {  	_ =	swait.ge [sflag:s22], $0x4000  }
0x1b6: {  	[sflag:s22] =	ssyncset.done $0x0  }
0x1b7: {  	[sflag:s22] =	ssyncadd.s32 $0xFFFFC000  }
0x1b8: {  	_ =	swait.ge [sflag:s23], $0x4000  }
0x1b9: {  	[sflag:s23] =	ssyncset.done $0x0  }
0x1ba: {  	[sflag:s23] =	ssyncadd.s32 $0xFFFFC000  }
0x1bb: {  	v3 =	vld [tilespmem:s25+$0x0];
	_ =	sdelay $0x4  }
0x1bc: {  	v63 =	vshll.u32 v3, $0x3  }
0x1bd: {  	v3 =	vand.u32 $0x7, v3;
	v4 =	vand.u32 $0xFFFFFFC0, v63  }
0x1be: {  	v3 =	vor.u32 v3, v4  }
0x1bf: {  	v4 =	vperm.xlane v3, v0;
	_ =	sdelay $0x1  }
0x1c0: {  	v4 =	vadd.s32 v1, v4;
	_ =	sdelay $0x4  }
0x1c1: {  	[tilespmem:s20], [sflag:$0x4] =	stream.indirect_vreg.gather [hbm4b:s2+s3], $0x80, v4, vm0, $0xb8;
	[tilespmem:$0x18400] =	vst v63  }
0x1c2: {  	s1 =	simm.s32 $0xCC00;
	v3 =	vperm.xlane v3, v2  }
0x1c3: {  	[tilespmem:s1], [sflag:$0x4] =	stream.indirect_vreg.gather [hbm4b:s5+s3], $0x80, v4, vm0, $0xb8;
	[tilespmem:$0x18400] =	vst v63  }
0x1c4: {  	v3 =	vadd.s32 v1, v3;
	s1 =	simm.s32 $0xD400  }
0x1c5: {  	[tilespmem:s1], [sflag:$0x4] =	stream.indirect_vreg.gather [hbm4b:s6+s3], $0x80, v4, vm0, $0xb8;
	[tilespmem:$0x18400] =	vst v63  }
0x1c6: {  	s1 =	simm.s32 $0xDC00  }
0x1c7: {  	[tilespmem:s1], [sflag:$0x4] =	stream.indirect_vreg.gather [hbm4b:s8+s3], $0x80, v4, vm0, $0xb8;
	[tilespmem:$0x18400] =	vst v63  }
0x1c8: {  	s1 =	simm.s32 $0xE400  }
0x1c9: {  	[tilespmem:s1], [sflag:$0x4] =	stream.indirect_vreg.gather [hbm4b:s2+s3], $0x80, v3, vm0, $0xb8;
	[tilespmem:$0x18400] =	vst v63  }
0x1ca: {  	s1 =	simm.s32 $0xEC00  }
0x1cb: {  	[tilespmem:s1], [sflag:$0x4] =	stream.indirect_vreg.gather [hbm4b:s5+s3], $0x80, v3, vm0, $0xb8;
	[tilespmem:$0x18400] =	vst v63  }
0x1cc: {  	s29 =	simm.s32 $0x400;
	p0 =	sne.s32 s15, $0x18000;
	s1 =	simm.s32 $0xF400  }
0x1cd: {  	[tilespmem:s1], [sflag:$0x4] =	stream.indirect_vreg.gather [hbm4b:s6+s3], $0x80, v3, vm0, $0xb8;
	[tilespmem:$0x18400] =	vst v63  }
.Ltmp0:
0x1ce: {  	s15 =	sadd.s32 $0x3000, s15;
	s7 =	simm.s32 $0x4400;
	(pc) =	sbr.rel @p0 .LBB2_2-.Ltmp0, $4  }
0x1cf: {  	s16 =	simm.s32 $0x8400;
	s26 =	sadd.s32 $0x5800, s26;
	s1 =	simm.s32 $0xFC00  }
0x1d0: {  	[tilespmem:s1], [sflag:$0x4] =	stream.indirect_vreg.gather [hbm4b:s8+s3], $0x80, v3, vm0, $0xb8;
	[tilespmem:$0x18400] =	vst v63  }
0x1d1: {  	s17 =	simm.s32 $0xC400;
	s25 =	sadd.s32 $0x60, s25;
	s20 =	simm.s32 $0x14400  }
0x1d2: {  	[hbm4b:s26+s3] =	stream.linear.scatter [tilespmem:s20], [sflag:$0xC], $0x4000, $0x38;
	[tilespmem:$0x18400] =	vst v63  }
0x1d3: {  	_ =	swait.ge [sflag:s28], $0x4000  }
0x1d4: {  	[sflag:s28] =	ssyncset.done $0x0  }
0x1d5: {  	s1 =	rddreg [dreg:$0xc];
	[sflag:s28] =	ssyncadd.s32 $0xFFFFC000  }
0x1d6: {  	[hbm4b:s1+s3] =	stream.linear.scatter [tilespmem:s29], [sflag:$0x7], $0x4000, $0x38;
	[tilespmem:$0x18400] =	vst v63  }
0x1d7: {  	_ =	swait.ge [sflag:s13], $0x4000  }
0x1d8: {  	[sflag:s13] =	ssyncset.done $0x0  }
0x1d9: {  	s15 =	rddreg [dreg:$0xd];
	[sflag:s13] =	ssyncadd.s32 $0xFFFFC000  }
0x1da: {  	[hbm4b:s15+s3] =	stream.linear.scatter [tilespmem:s7], [sflag:$0x8], $0x4000, $0x38;
	[tilespmem:$0x18400] =	vst v63  }
0x1db: {  	_ =	swait.ge [sflag:s18], $0x4000  }
0x1dc: {  	[sflag:s18] =	ssyncset.done $0x0  }
0x1dd: {  	s20 =	rddreg [dreg:$0xe];
	[sflag:s18] =	ssyncadd.s32 $0xFFFFC000  }
0x1de: {  	[hbm4b:s20+s3] =	stream.linear.scatter [tilespmem:s16], [sflag:$0x9], $0x4000, $0x38;
	[tilespmem:$0x18400] =	vst v63  }
0x1df: {  	_ =	swait.ge [sflag:s10], $0x4000  }
0x1e0: {  	[sflag:s10] =	ssyncset.done $0x0  }
0x1e1: {  	s25 =	rddreg [dreg:$0xf];
	[sflag:s10] =	ssyncadd.s32 $0xFFFFC000  }
0x1e2: {  	[hbm4b:s25+s3] =	stream.linear.scatter [tilespmem:s17], [sflag:$0xA], $0x4000, $0x38;
	[tilespmem:$0x18400] =	vst v63  }
0x1e3: {  	_ =	swait.ge [sflag:s24], $0x4000  }
0x1e4: {  	[sflag:s24] =	ssyncset.done $0x0  }
0x1e5: {  	[sflag:s24] =	ssyncadd.s32 $0xFFFFC000  }
0x1e6: {  	_ =	swait.ge [sflag:s31], $0x4000  }
0x1e7: {  	[sflag:s31] =	ssyncset.done $0x0  }
0x1e8: {  	[sflag:s31] =	ssyncadd.s32 $0xFFFFC000  }
0x1e9: {  	_ =	swait.ge [sflag:s9], $0x4000  }
0x1ea: {  	[sflag:s9] =	ssyncset.done $0x0  }
0x1eb: {  	[sflag:s9] =	ssyncadd.s32 $0xFFFFC000  }
0x1ec: {  	_ =	swait.ge [sflag:s19], $0x4000  }
0x1ed: {  	[sflag:s19] =	ssyncset.done $0x0  }
0x1ee: {  	[sflag:s19] =	ssyncadd.s32 $0xFFFFC000  }
0x1ef: {  	_ =	swait.ge [sflag:s12], $0x4000  }
0x1f0: {  	[sflag:s12] =	ssyncset.done $0x0  }
0x1f1: {  	[sflag:s12] =	ssyncadd.s32 $0xFFFFC000  }
0x1f2: {  	_ =	swait.ge [sflag:s23], $0x4000  }
0x1f3: {  	s20 =	rddreg [dreg:$0x11]  }
0x1f4: {  	s26 =	rddreg [dreg:$0x10];
	s20 =	sadd.s32 $0x1, s20  }
0x1f5: {  	p0 =	sne.s32 s20, s26  }
.Ltmp1:
0x1f6: {  	_ = 	snop;
	(pc) =	sbr.rel @p0 .LBB2_1-.Ltmp1, $4  }
0x1f7: {  	s0 =	simm.s32 $0x1C00;
	s4 =	simm.s32 $0x2C00  }
0x1f8: {  	s29 =	simm.s32 $0x5C00;
	s15 =	simm.s32 $0xC00;
	s7 =	simm.s32 $0x5400  }
0x1f9: {  	s16 =	simm.s32 $0x1400;
	s17 =	simm.s32 $0x2400;
	[sflag:s23] =	ssyncset.done $0x0  }
0x1fa: {  	s25 =	simm.s32 $0x3C00;
	[sflag:s23] =	ssyncadd.s32 $0xFFFFC000;
	s26 =	simm.s32 $0x6400  }
0x1fb: {  	_ =	sfence.sel $0x180000  }
0x1fc: {  	[bflag:$0x0] =	sbarrier.arrive $0xFFFF  }
0x1fd: {  	_ =	strace $0x90000047  }
0x1fe: {  	s0 =	stileid.u32;
	[bflag:$0x2] =	sbarrier.arrive $0xFFFF  }
0x1ff: {  	p0 =	sne.s32 s0, $0x0;
	s0 =	rddreg [dreg:$0x3]  }
0x200: {  	s0 =	sadd.s32 @!p0 $0x100000, s0  }
0x201: {  	[sflag:s0] =	ssyncadd.tile.s32 @!p0 $0x1;
	_ =	shalt  }
.Lfunc_end2:
_tile_overlayer_lowered:
.L_overlay_start_2:
0x202: {  	(tag) =	ssettag $0x2  }
0x203: {  	s0 =	rddreg [dreg:$0x0];
	s2 =	stileid.u32  }
0x204: {  	s1 =	rddreg [dreg:$0x1];
	p0 =	sne.s32 s2, $0x0  }
0x205: {  	s3 =	rddreg [dreg:$0x2];
	[bflag:$0x3] =	sbarrier.arrive $0xFFFF;
	s2 =	simm.s32 @!p0 $0x1C0D  }
0x206: {  	[timem:s3], [sflag:s2] =	dma.local @!p0 [hbm:s0], s1  }
0x207: {  	s0 =	simm.s32 @!p0 $0xD  }
0x208: {  	_ =	swait.ge @!p0 [sflag:s0], s1  }
0x209: {  	s1 =	ssub.s32 @!p0 $0x0, s1;
	[sflag:s0] =	ssyncset.done @!p0 $0x0  }
0x20a: {  	[sflag:s0] =	ssyncadd.s32 @!p0 s1  }
0x20b: {  	[bflag:$0x3] =	sbarrier.arrive $0xFFFF  }
0x20c: {  	_ =	shalt  }

</sc_bundles>
